<compile_context>
chip_gen: v7x
topology: tpu7x:2x2x1
jax: 0.10.2.dev20260603
libtpu: 0.0.44.dev20260713+nightly
codegen_flags: <defaults>
</compile_context>

<pallas_src>
import jax
import jax.numpy as jnp
from jax import lax
from jax.experimental import pallas as pl
from jax.experimental.pallas import tpu as pltpu
from jax.experimental.pallas import tpu_sc as plsc

N_ATOMS = 6400000
NUM_GRAPHS = 100000
LANES = 128
E_ROWS = N_ATOMS // LANES

CHUNKS = 4
TC_BLOCK_ROWS = 400
TC_BLOCK_ATOMS = TC_BLOCK_ROWS * LANES
CHUNK_BLOCKS = (16, 36, 36, 37)
CHUNK_ROWS = tuple(b * TC_BLOCK_ROWS for b in CHUNK_BLOCKS)
CHUNK_BASE_ROW = (0, 6400, 20800, 35200)

NUM_CORES = 2
NUM_SUBCORES = 16
NUM_WORKERS = NUM_CORES * NUM_SUBCORES
SC_PARAMS = (
    (200, 2, 100, 0),
    (450, 3, 150, 0),
    (450, 3, 150, 0),
    (462, 3, 154, 16),
)
ACC_PER_TILE = 6272
ACC_PAD = NUM_SUBCORES * ACC_PER_TILE


def _forces_energy_body(*refs):
    if len(refs) == 5:
        p_ref, p0_ref, _, f_ref, e_ref = refs
    else:
        p_ref, p0_ref, f_ref, e_ref = refs
    p = p_ref[...]
    p0 = p0_ref[...]
    dr = p - p0
    f_ref[...] = p0 - p
    sq = dr * dr
    e_row = (sq[0] + sq[1] + sq[2]) * jnp.float32(0.5)
    e_ref[...] = e_row.reshape(TC_BLOCK_ROWS, LANES)


def _make_forces_energy(chunk, first):
    base_blk = CHUNK_BASE_ROW[chunk] // TC_BLOCK_ROWS
    blk = lambda i, b=base_blk: (0, b + i)
    in_specs = [
        pl.BlockSpec((3, TC_BLOCK_ATOMS), blk),
        pl.BlockSpec((3, TC_BLOCK_ATOMS), blk),
    ]
    if not first:
        in_specs.append(pl.BlockSpec(memory_space=pl.ANY))
    return pl.pallas_call(
        _forces_energy_body,
        grid=(CHUNK_BLOCKS[chunk],),
        in_specs=in_specs,
        out_specs=[
            pl.BlockSpec((3, TC_BLOCK_ATOMS), blk),
            pl.BlockSpec((TC_BLOCK_ROWS, LANES), lambda i: (i, 0)),
        ],
        out_shape=[
            jax.ShapeDtypeStruct((3, N_ATOMS), jnp.float32),
            jax.ShapeDtypeStruct((CHUNK_ROWS[chunk], LANES), jnp.float32),
        ],
        input_output_aliases={} if first else {2: 0},
    )


_forces_energy = [_make_forces_energy(c, c == 0) for c in range(CHUNKS)]


def _make_segment_sum(chunk):
    chunk_base = CHUNK_BASE_ROW[chunk] * LANES
    rows_pw, n_stages, stage_rows, tail_rows = SC_PARAMS[chunk]
    stage_atoms = stage_rows * LANES
    tail_atoms = max(tail_rows, 16) * LANES

    def body(e_hbm, b_hbm, out_hbm, accum,
             e_buf0, i_buf0, e_buf1, i_buf1, te_buf, ti_buf, zbuf,
             sl0, sl1, ss0, ss1):
        c = lax.axis_index("c")
        s = lax.axis_index("s")
        w = s * NUM_CORES + c
        e_bufs = (e_buf0, e_buf1)
        i_bufs = (i_buf0, i_buf1)
        sem_l = (sl0, sl1)
        sem_s = (ss0, ss1)

        def _zero(j, _):
            zbuf[pl.ds(j * 16, 16)] = jnp.zeros((16,), jnp.float32)
            return 0
        lax.fori_loop(0, ACC_PER_TILE // 16, _zero, 0, unroll=8)
        pltpu.sync_copy(zbuf, accum.at[pl.ds(s * ACC_PER_TILE, ACC_PER_TILE)])
        plsc.subcore_barrier()

        base = w * rows_pw * LANES

        def _start_load(k):
            b = k % 2
            a0 = base + k * stage_atoms
            dl_e = pltpu.async_copy(e_hbm.at[pl.ds(a0, stage_atoms)],
                                    e_bufs[b], sem_l[b])
            dl_i = pltpu.async_copy(
                b_hbm.at[pl.ds(chunk_base + a0, stage_atoms)],
                i_bufs[b], sem_l[b])
            return dl_e, dl_i

        loads = _start_load(0)
        scatters = [None, None]
        for k in range(n_stages):
            b = k % 2
            loads[0].wait()
            loads[1].wait()
            if k + 1 < n_stages:
                if scatters[(k + 1) % 2] is not None:
                    scatters[(k + 1) % 2].wait()
                    scatters[(k + 1) % 2] = None
                loads = _start_load(k + 1)
            scatters[b] = pltpu.async_copy(e_bufs[b], accum.at[i_bufs[b]],
                                           sem_s[b], add=True)
        for b in range(2):
            if scatters[b] is not None:
                scatters[b].wait()

        if tail_rows:
            @pl.when(w == 0)
            def _tail():
                a0 = NUM_WORKERS * rows_pw * LANES
                pltpu.sync_copy(e_hbm.at[pl.ds(a0, tail_atoms)], te_buf)
                pltpu.sync_copy(b_hbm.at[pl.ds(chunk_base + a0, tail_atoms)],
                                ti_buf)
                pltpu.sync_copy(te_buf, accum.at[ti_buf], add=True)

        plsc.subcore_barrier()
        pltpu.sync_copy(accum.at[pl.ds(s * ACC_PER_TILE, ACC_PER_TILE)],
                        out_hbm.at[c, s])

    return pl.kernel(
        body,
        out_type=jax.ShapeDtypeStruct((NUM_CORES, NUM_SUBCORES, ACC_PER_TILE),
                                      jnp.float32),
        mesh=plsc.VectorSubcoreMesh(core_axis_name="c", subcore_axis_name="s"),
        scratch_types=[
            pltpu.VMEM_SHARED((ACC_PAD,), jnp.float32),
            pltpu.VMEM((stage_atoms,), jnp.float32),
            pltpu.VMEM((stage_atoms,), jnp.int32),
            pltpu.VMEM((stage_atoms,), jnp.float32),
            pltpu.VMEM((stage_atoms,), jnp.int32),
            pltpu.VMEM((tail_atoms,), jnp.float32),
            pltpu.VMEM((tail_atoms,), jnp.int32),
            pltpu.VMEM((ACC_PER_TILE,), jnp.float32),
            pltpu.SemaphoreType.DMA,
            pltpu.SemaphoreType.DMA,
            pltpu.SemaphoreType.DMA,
            pltpu.SemaphoreType.DMA,
        ],
    )


_segment_sum = [_make_segment_sum(c) for c in range(CHUNKS)]


def _combine_body(p0, p1, p2, p3, o_ref):
    acc = None
    for p in (p0, p1, p2, p3):
        for i in range(NUM_CORES):
            acc = p[i] if acc is None else acc + p[i]
    o_ref[...] = acc


_combine = pl.pallas_call(
    _combine_body,
    in_specs=[pl.BlockSpec((NUM_CORES, ACC_PAD // LANES, LANES),
                           lambda: (0, 0, 0))] * CHUNKS,
    out_specs=pl.BlockSpec((ACC_PAD // LANES, LANES), lambda: (0, 0)),
    out_shape=jax.ShapeDtypeStruct((ACC_PAD // LANES, LANES), jnp.float32),
)


@jax.jit
def kernel(pos, pos0, batch):
    pos_t = pos.T
    pos0_t = pos0.T
    forces_t = None
    partials = []
    for c in range(CHUNKS):
        if c == 0:
            forces_t, e2 = _forces_energy[c](pos_t, pos0_t)
        else:
            forces_t, e2 = _forces_energy[c](pos_t, pos0_t, forces_t)
        partials.append(
            _segment_sum[c](e2.reshape(CHUNK_ROWS[c] * LANES), batch))
    combined = _combine(
        *[p.reshape(NUM_CORES, ACC_PAD // LANES, LANES) for p in partials])
    energy = combined.reshape(ACC_PAD)[:NUM_GRAPHS]
    return energy, forces_t.T

# --- scband reference (transcript-rebuilt; emitter-appended) ---
"""Pipeline reference for scband-simple-spring-potential-6313601925566 (READ-ONLY COPY).

The authoritative reference and input builder live on the scoring server;
editing this copy changes nothing except your own understanding.
"""

import jax, jax.numpy as jnp
import numpy as np

K_SPRING = 1.0
N_ATOMS = 6400000
NUM_GRAPHS = 100000


def setup_inputs(seed: int = 0) -> dict:
    key = jax.random.key(seed)
    k1, k2, k3 = jax.random.split(key, 3)
    pos = jax.random.normal(k1, (N_ATOMS, 3), dtype=jnp.float32)
    pos0 = jax.random.normal(k2, (N_ATOMS, 3), dtype=jnp.float32)
    batch = jnp.sort(jax.random.randint(k3, (N_ATOMS,), 0, NUM_GRAPHS, dtype=jnp.int32))
    # guarantee the max segment id is present so num_graphs is deterministic
    batch = batch.at[-1].set(NUM_GRAPHS - 1)
    return {"pos": pos, "pos0": pos0, "batch": batch}


def reference(pos, pos0, batch):
    # dr = data.pos - data.pos0
    dr = pos - pos0
    # num_graphs = data.batch.max().item() + 1
    num_graphs = NUM_GRAPHS
    # energy.index_add_(0, data.batch, 0.5 * k * sum(dr**2, -1))
    per_atom_energy = 0.5 * K_SPRING * jnp.sum(dr ** 2, axis=-1)
    energy = jax.ops.segment_sum(per_atom_energy, batch, num_segments=num_graphs)
    # forces = -k * dr
    forces = -K_SPRING * dr
    return energy, forces

if __name__ == "__main__":
    import jax
    _d = setup_inputs()
    print(jax.jit(kernel)(*tuple(_d.values())))

</pallas_src>

<mosaic_0001>
#map = affine_map<(d0, d1) -> (0)>
#map1 = affine_map<(d0, d1) -> (0, 0, 0)>
module attributes {stable_mosaic.version = 14 : i64} {
  func.func @body(%arg0: i32, %arg1: i32, %arg2: memref<1843200xf32, #tpu.memory_space<hbm>>, %arg3: memref<6400000xi32, #tpu.memory_space<hbm>>, %arg4: memref<2x16x6272xf32, #tpu.memory_space<hbm>>, %arg5: memref<100352xf32, #tpu.memory_space<vmem_shared>>, %arg6: memref<19200xf32, #tpu.memory_space<vmem>>, %arg7: memref<19200xi32, #tpu.memory_space<vmem>>, %arg8: memref<19200xf32, #tpu.memory_space<vmem>>, %arg9: memref<19200xi32, #tpu.memory_space<vmem>>, %arg10: memref<2048xf32, #tpu.memory_space<vmem>>, %arg11: memref<2048xi32, #tpu.memory_space<vmem>>, %arg12: memref<6272xf32, #tpu.memory_space<vmem>>, %arg13: memref<!tpu.dma_semaphore, #tpu.memory_space<semaphore_mem>>, %arg14: memref<!tpu.dma_semaphore, #tpu.memory_space<semaphore_mem>>, %arg15: memref<!tpu.dma_semaphore, #tpu.memory_space<semaphore_mem>>, %arg16: memref<!tpu.dma_semaphore, #tpu.memory_space<semaphore_mem>>) attributes {dimension_semantics = [#tpu.dimension_semantics<core_parallel>, #tpu.dimension_semantics<subcore_parallel>], iteration_bounds = array<i64: 2, 16>, scalar_prefetch = 0 : i64, scratch_operands = 12 : i64, tpu.core_type = #tpu.core_type<sc_vector_subcore>, window_params = [{transform_indices = #map}, {transform_indices = #map}, {transform_indices = #map1}]} {
    %mul3A = arith.constant 2 : i32
    %mul3A_0 = arith.muli %arg1, %mul3A : i32
    %add3A = arith.addi %mul3A_0, %arg0 : i32
    %scan3A = arith.constant 0 : i32
    %scan3A_1 = arith.constant 0 : i32
    %scan3A_2 = arith.constant 392 : i32
    %scan3A_3 = arith.addi %scan3A_1, %scan3A_2 : i32
    %scan3A_4 = arith.constant 8 : i32
    %scan3A_5 = scf.for %scan3A_62 = %scan3A_1 to %scan3A_3 step %scan3A_4 iter_args(%scan3A_63 = %scan3A) -> (i32)  : i32 {
      %broadcast_in_dim3A = arith.constant 0.000000e+00 : f32
      %broadcast_in_dim3A_64 = vector.broadcast %broadcast_in_dim3A : f32 to vector<16xf32>
      %mul3A_65 = arith.constant 16 : i32
      %mul3A_66 = arith.muli %scan3A_62, %mul3A_65 : i32
      %swap3A = arith.index_cast %mul3A_66 : i32 to index
      %swap3A_67 = tpu.vector_load %arg12[%swap3A] {strides = array<i32>} : memref<6272xf32, #tpu.memory_space<vmem>>, vector<16xf32>,
      %swap3A_68 = vector.shape_cast %swap3A_67 : vector<16xf32> to vector<16xf32>
      %swap3A_69 = vector.shape_cast %broadcast_in_dim3A_64 : vector<16xf32> to vector<16xf32>
      tpu.vector_store %arg12[%swap3A], %swap3A_69 {strides = array<i32>} : memref<6272xf32, #tpu.memory_space<vmem>>, vector<16xf32>,
      %scan3A_70 = arith.constant 0 : i32
      %scan3A_71 = arith.constant 1 : i32
      %scan3A_72 = arith.addi %scan3A_62, %scan3A_71 : i32
      %broadcast_in_dim3A_73 = arith.constant 0.000000e+00 : f32
      %broadcast_in_dim3A_74 = vector.broadcast %broadcast_in_dim3A_73 : f32 to vector<16xf32>
      %mul3A_75 = arith.constant 16 : i32
      %mul3A_76 = arith.muli %scan3A_72, %mul3A_75 : i32
      %swap3A_77 = arith.index_cast %mul3A_76 : i32 to index
      %swap3A_78 = tpu.vector_load %arg12[%swap3A_77] {strides = array<i32>} : memref<6272xf32, #tpu.memory_space<vmem>>, vector<16xf32>,
      %swap3A_79 = vector.shape_cast %swap3A_78 : vector<16xf32> to vector<16xf32>
      %swap3A_80 = vector.shape_cast %broadcast_in_dim3A_74 : vector<16xf32> to vector<16xf32>
      tpu.vector_store %arg12[%swap3A_77], %swap3A_80 {strides = array<i32>} : memref<6272xf32, #tpu.memory_space<vmem>>, vector<16xf32>,
      %scan3A_81 = arith.constant 0 : i32
      %scan3A_82 = arith.constant 2 : i32
      %scan3A_83 = arith.addi %scan3A_62, %scan3A_82 : i32
      %broadcast_in_dim3A_84 = arith.constant 0.000000e+00 : f32
      %broadcast_in_dim3A_85 = vector.broadcast %broadcast_in_dim3A_84 : f32 to vector<16xf32>
      %mul3A_86 = arith.constant 16 : i32
      %mul3A_87 = arith.muli %scan3A_83, %mul3A_86 : i32
      %swap3A_88 = arith.index_cast %mul3A_87 : i32 to index
      %swap3A_89 = tpu.vector_load %arg12[%swap3A_88] {strides = array<i32>} : memref<6272xf32, #tpu.memory_space<vmem>>, vector<16xf32>,
      %swap3A_90 = vector.shape_cast %swap3A_89 : vector<16xf32> to vector<16xf32>
      %swap3A_91 = vector.shape_cast %broadcast_in_dim3A_85 : vector<16xf32> to vector<16xf32>
      tpu.vector_store %arg12[%swap3A_88], %swap3A_91 {strides = array<i32>} : memref<6272xf32, #tpu.memory_space<vmem>>, vector<16xf32>,
      %scan3A_92 = arith.constant 0 : i32
      %scan3A_93 = arith.constant 3 : i32
      %scan3A_94 = arith.addi %scan3A_62, %scan3A_93 : i32
      %broadcast_in_dim3A_95 = arith.constant 0.000000e+00 : f32
      %broadcast_in_dim3A_96 = vector.broadcast %broadcast_in_dim3A_95 : f32 to vector<16xf32>
      %mul3A_97 = arith.constant 16 : i32
      %mul3A_98 = arith.muli %scan3A_94, %mul3A_97 : i32
      %swap3A_99 = arith.index_cast %mul3A_98 : i32 to index
      %swap3A_100 = tpu.vector_load %arg12[%swap3A_99] {strides = array<i32>} : memref<6272xf32, #tpu.memory_space<vmem>>, vector<16xf32>,
      %swap3A_101 = vector.shape_cast %swap3A_100 : vector<16xf32> to vector<16xf32>
      %swap3A_102 = vector.shape_cast %broadcast_in_dim3A_96 : vector<16xf32> to vector<16xf32>
      tpu.vector_store %arg12[%swap3A_99], %swap3A_102 {strides = array<i32>} : memref<6272xf32, #tpu.memory_space<vmem>>, vector<16xf32>,
      %scan3A_103 = arith.constant 0 : i32
      %scan3A_104 = arith.constant 4 : i32
      %scan3A_105 = arith.addi %scan3A_62, %scan3A_104 : i32
      %broadcast_in_dim3A_106 = arith.constant 0.000000e+00 : f32
      %broadcast_in_dim3A_107 = vector.broadcast %broadcast_in_dim3A_106 : f32 to vector<16xf32>
      %mul3A_108 = arith.constant 16 : i32
      %mul3A_109 = arith.muli %scan3A_105, %mul3A_108 : i32
      %swap3A_110 = arith.index_cast %mul3A_109 : i32 to index
      %swap3A_111 = tpu.vector_load %arg12[%swap3A_110] {strides = array<i32>} : memref<6272xf32, #tpu.memory_space<vmem>>, vector<16xf32>,
      %swap3A_112 = vector.shape_cast %swap3A_111 : vector<16xf32> to vector<16xf32>
      %swap3A_113 = vector.shape_cast %broadcast_in_dim3A_107 : vector<16xf32> to vector<16xf32>
      tpu.vector_store %arg12[%swap3A_110], %swap3A_113 {strides = array<i32>} : memref<6272xf32, #tpu.memory_space<vmem>>, vector<16xf32>,
      %scan3A_114 = arith.constant 0 : i32
      %scan3A_115 = arith.constant 5 : i32
      %scan3A_116 = arith.addi %scan3A_62, %scan3A_115 : i32
      %broadcast_in_dim3A_117 = arith.constant 0.000000e+00 : f32
      %broadcast_in_dim3A_118 = vector.broadcast %broadcast_in_dim3A_117 : f32 to vector<16xf32>
      %mul3A_119 = arith.constant 16 : i32
      %mul3A_120 = arith.muli %scan3A_116, %mul3A_119 : i32
      %swap3A_121 = arith.index_cast %mul3A_120 : i32 to index
      %swap3A_122 = tpu.vector_load %arg12[%swap3A_121] {strides = array<i32>} : memref<6272xf32, #tpu.memory_space<vmem>>, vector<16xf32>,
      %swap3A_123 = vector.shape_cast %swap3A_122 : vector<16xf32> to vector<16xf32>
      %swap3A_124 = vector.shape_cast %broadcast_in_dim3A_118 : vector<16xf32> to vector<16xf32>
      tpu.vector_store %arg12[%swap3A_121], %swap3A_124 {strides = array<i32>} : memref<6272xf32, #tpu.memory_space<vmem>>, vector<16xf32>,
      %scan3A_125 = arith.constant 0 : i32
      %scan3A_126 = arith.constant 6 : i32
      %scan3A_127 = arith.addi %scan3A_62, %scan3A_126 : i32
      %broadcast_in_dim3A_128 = arith.constant 0.000000e+00 : f32
      %broadcast_in_dim3A_129 = vector.broadcast %broadcast_in_dim3A_128 : f32 to vector<16xf32>
      %mul3A_130 = arith.constant 16 : i32
      %mul3A_131 = arith.muli %scan3A_127, %mul3A_130 : i32
      %swap3A_132 = arith.index_cast %mul3A_131 : i32 to index
      %swap3A_133 = tpu.vector_load %arg12[%swap3A_132] {strides = array<i32>} : memref<6272xf32, #tpu.memory_space<vmem>>, vector<16xf32>,
      %swap3A_134 = vector.shape_cast %swap3A_133 : vector<16xf32> to vector<16xf32>
      %swap3A_135 = vector.shape_cast %broadcast_in_dim3A_129 : vector<16xf32> to vector<16xf32>
      tpu.vector_store %arg12[%swap3A_132], %swap3A_135 {strides = array<i32>} : memref<6272xf32, #tpu.memory_space<vmem>>, vector<16xf32>,
      %scan3A_136 = arith.constant 0 : i32
      %scan3A_137 = arith.constant 7 : i32
      %scan3A_138 = arith.addi %scan3A_62, %scan3A_137 : i32
      %broadcast_in_dim3A_139 = arith.constant 0.000000e+00 : f32
      %broadcast_in_dim3A_140 = vector.broadcast %broadcast_in_dim3A_139 : f32 to vector<16xf32>
      %mul3A_141 = arith.constant 16 : i32
      %mul3A_142 = arith.muli %scan3A_138, %mul3A_141 : i32
      %swap3A_143 = arith.index_cast %mul3A_142 : i32 to index
      %swap3A_144 = tpu.vector_load %arg12[%swap3A_143] {strides = array<i32>} : memref<6272xf32, #tpu.memory_space<vmem>>, vector<16xf32>,
      %swap3A_145 = vector.shape_cast %swap3A_144 : vector<16xf32> to vector<16xf32>
      %swap3A_146 = vector.shape_cast %broadcast_in_dim3A_140 : vector<16xf32> to vector<16xf32>
      tpu.vector_store %arg12[%swap3A_143], %swap3A_146 {strides = array<i32>} : memref<6272xf32, #tpu.memory_space<vmem>>, vector<16xf32>,
      %scan3A_147 = arith.constant 0 : i32
      scf.yield %scan3A_147 : i32
    }
    %scan3A_6 = arith.constant 392 : i32
    %mul3A_7 = arith.constant 6272 : i32
    %mul3A_8 = arith.muli %arg1, %mul3A_7 : i32
    "tpu.region"() ({
      %run_scoped3A = tpu.sem_alloc : memref<!tpu.dma_semaphore, #tpu.memory_space<semaphore_mem>>
      %dma_start3A_62 = tpu.memref_slice %arg5[%mul3A_8] : memref<100352xf32, #tpu.memory_space<vmem_shared>> -> memref<6272xf32, #tpu.memory_space<vmem_shared>>
      %dma_start3A_63 = tpu.memref_slice %arg5[%mul3A_8] : memref<100352xf32, #tpu.memory_space<vmem_shared>> -> memref<6272xf32, #tpu.memory_space<vmem_shared>>
      tpu.enqueue_dma source(%arg12 : memref<6272xf32, #tpu.memory_space<vmem>>) target(%dma_start3A_63 : memref<6272xf32, #tpu.memory_space<vmem_shared>>) target_semaphore(%run_scoped3A : memref<!tpu.dma_semaphore, #tpu.memory_space<semaphore_mem>>)
      %dma_wait3A_64 = tpu.memref_slice %arg5[%mul3A_8] : memref<100352xf32, #tpu.memory_space<vmem_shared>> -> memref<6272xf32, #tpu.memory_space<vmem_shared>>
      %dma_wait3A_65 = tpu.memref_slice %arg5[%mul3A_8] : memref<100352xf32, #tpu.memory_space<vmem_shared>> -> memref<6272xf32, #tpu.memory_space<vmem_shared>>
      tpu.wait_dma2 semaphore(%run_scoped3A : memref<!tpu.dma_semaphore, #tpu.memory_space<semaphore_mem>>) src(%arg12 : memref<6272xf32, #tpu.memory_space<vmem>>) dst(%dma_wait3A_65 : memref<6272xf32, #tpu.memory_space<vmem_shared>>)
      tpu.yield
    }) : () -> ()
    %barrier3A = arith.constant 0 : index
    tpu.barrier barrier_id(%barrier3A)
    %mul3A_9 = arith.constant 450 : i32
    %mul3A_10 = arith.muli %add3A, %mul3A_9 : i32
    %mul3A_11 = arith.constant 128 : i32
    %mul3A_12 = arith.muli %mul3A_10, %mul3A_11 : i32
    %add3A_13 = arith.constant 0 : i32
    %add3A_14 = arith.addi %mul3A_12, %add3A_13 : i32
    %dma_start3A = tpu.memref_slice %arg2[%add3A_14] : memref<1843200xf32, #tpu.memory_space<hbm>> -> memref<19200xf32, #tpu.memory_space<hbm>>
    %dma_start3A_15 = tpu.memref_slice %arg2[%add3A_14] : memref<1843200xf32, #tpu.memory_space<hbm>> -> memref<19200xf32, #tpu.memory_space<hbm>>
    tpu.enqueue_dma source(%dma_start3A_15 : memref<19200xf32, #tpu.memory_space<hbm>>) target(%arg6 : memref<19200xf32, #tpu.memory_space<vmem>>) target_semaphore(%arg13 : memref<!tpu.dma_semaphore, #tpu.memory_space<semaphore_mem>>)
    %add3A_16 = arith.constant 2662400 : i32
    %add3A_17 = arith.addi %add3A_16, %add3A_14 : i32
    %dma_start3A_18 = tpu.memref_slice %arg3[%add3A_17] : memref<6400000xi32, #tpu.memory_space<hbm>> -> memref<19200xi32, #tpu.memory_space<hbm>>
    %dma_start3A_19 = tpu.memref_slice %arg3[%add3A_17] : memref<6400000xi32, #tpu.memory_space<hbm>> -> memref<19200xi32, #tpu.memory_space<hbm>>
    tpu.enqueue_dma source(%dma_start3A_19 : memref<19200xi32, #tpu.memory_space<hbm>>) target(%arg7 : memref<19200xi32, #tpu.memory_space<vmem>>) target_semaphore(%arg13 : memref<!tpu.dma_semaphore, #tpu.memory_space<semaphore_mem>>)
    %dma_wait3A = tpu.memref_slice %arg2[%add3A_14] : memref<1843200xf32, #tpu.memory_space<hbm>> -> memref<19200xf32, #tpu.memory_space<hbm>>
    %dma_wait3A_20 = tpu.memref_slice %arg2[%add3A_14] : memref<1843200xf32, #tpu.memory_space<hbm>> -> memref<19200xf32, #tpu.memory_space<hbm>>
    tpu.wait_dma2 semaphore(%arg13 : memref<!tpu.dma_semaphore, #tpu.memory_space<semaphore_mem>>) src(%dma_wait3A_20 : memref<19200xf32, #tpu.memory_space<hbm>>) dst(%arg6 : memref<19200xf32, #tpu.memory_space<vmem>>)
    %dma_wait3A_21 = tpu.memref_slice %arg3[%add3A_17] : memref<6400000xi32, #tpu.memory_space<hbm>> -> memref<19200xi32, #tpu.memory_space<hbm>>
    %dma_wait3A_22 = tpu.memref_slice %arg3[%add3A_17] : memref<6400000xi32, #tpu.memory_space<hbm>> -> memref<19200xi32, #tpu.memory_space<hbm>>
    tpu.wait_dma2 semaphore(%arg13 : memref<!tpu.dma_semaphore, #tpu.memory_space<semaphore_mem>>) src(%dma_wait3A_22 : memref<19200xi32, #tpu.memory_space<hbm>>) dst(%arg7 : memref<19200xi32, #tpu.memory_space<vmem>>)
    %add3A_23 = arith.constant 19200 : i32
    %add3A_24 = arith.addi %mul3A_12, %add3A_23 : i32
    %dma_start3A_25 = tpu.memref_slice %arg2[%add3A_24] : memref<1843200xf32, #tpu.memory_space<hbm>> -> memref<19200xf32, #tpu.memory_space<hbm>>
    %dma_start3A_26 = tpu.memref_slice %arg2[%add3A_24] : memref<1843200xf32, #tpu.memory_space<hbm>> -> memref<19200xf32, #tpu.memory_space<hbm>>
    tpu.enqueue_dma source(%dma_start3A_26 : memref<19200xf32, #tpu.memory_space<hbm>>) target(%arg8 : memref<19200xf32, #tpu.memory_space<vmem>>) target_semaphore(%arg14 : memref<!tpu.dma_semaphore, #tpu.memory_space<semaphore_mem>>)
    %add3A_27 = arith.constant 2662400 : i32
    %add3A_28 = arith.addi %add3A_27, %add3A_24 : i32
    %dma_start3A_29 = tpu.memref_slice %arg3[%add3A_28] : memref<6400000xi32, #tpu.memory_space<hbm>> -> memref<19200xi32, #tpu.memory_space<hbm>>
    %dma_start3A_30 = tpu.memref_slice %arg3[%add3A_28] : memref<6400000xi32, #tpu.memory_space<hbm>> -> memref<19200xi32, #tpu.memory_space<hbm>>
    tpu.enqueue_dma source(%dma_start3A_30 : memref<19200xi32, #tpu.memory_space<hbm>>) target(%arg9 : memref<19200xi32, #tpu.memory_space<vmem>>) target_semaphore(%arg14 : memref<!tpu.dma_semaphore, #tpu.memory_space<semaphore_mem>>)
    %dma_start3A_31 = arith.constant 0 : i32
    %dma_start3A_32 = tpu.memref_slice %arg5[%dma_start3A_31] : memref<100352xf32, #tpu.memory_space<vmem_shared>> -> memref<100352xf32, #tpu.memory_space<vmem_shared>>
    tpu.enqueue_indirect_dma source(%arg6 : memref<19200xf32, #tpu.memory_space<vmem>>) target(%dma_start3A_32 : memref<100352xf32, #tpu.memory_space<vmem_shared>>) offsets(%arg7 : memref<19200xi32, #tpu.memory_space<vmem>>) semaphore(%arg15 : memref<!tpu.dma_semaphore, #tpu.memory_space<semaphore_mem>>) {add = true}
    %dma_wait3A_33 = tpu.memref_slice %arg2[%add3A_24] : memref<1843200xf32, #tpu.memory_space<hbm>> -> memref<19200xf32, #tpu.memory_space<hbm>>
    %dma_wait3A_34 = tpu.memref_slice %arg2[%add3A_24] : memref<1843200xf32, #tpu.memory_space<hbm>> -> memref<19200xf32, #tpu.memory_space<hbm>>
    tpu.wait_dma2 semaphore(%arg14 : memref<!tpu.dma_semaphore, #tpu.memory_space<semaphore_mem>>) src(%dma_wait3A_34 : memref<19200xf32, #tpu.memory_space<hbm>>) dst(%arg8 : memref<19200xf32, #tpu.memory_space<vmem>>)
    %dma_wait3A_35 = tpu.memref_slice %arg3[%add3A_28] : memref<6400000xi32, #tpu.memory_space<hbm>> -> memref<19200xi32, #tpu.memory_space<hbm>>
    %dma_wait3A_36 = tpu.memref_slice %arg3[%add3A_28] : memref<6400000xi32, #tpu.memory_space<hbm>> -> memref<19200xi32, #tpu.memory_space<hbm>>
    tpu.wait_dma2 semaphore(%arg14 : memref<!tpu.dma_semaphore, #tpu.memory_space<semaphore_mem>>) src(%dma_wait3A_36 : memref<19200xi32, #tpu.memory_space<hbm>>) dst(%arg9 : memref<19200xi32, #tpu.memory_space<vmem>>)
    %dma_wait3A_37 = arith.constant 0 : i32
    %dma_wait3A_38 = tpu.memref_slice %arg5[%dma_wait3A_37] : memref<100352xf32, #tpu.memory_space<vmem_shared>> -> memref<100352xf32, #tpu.memory_space<vmem_shared>>
    tpu.wait_indirect_dma semaphore(%arg15 : memref<!tpu.dma_semaphore, #tpu.memory_space<semaphore_mem>>) src(%arg6 : memref<19200xf32, #tpu.memory_space<vmem>>) dst(%dma_wait3A_38 : memref<100352xf32, #tpu.memory_space<vmem_shared>>)
    %add3A_39 = arith.constant 38400 : i32
    %add3A_40 = arith.addi %mul3A_12, %add3A_39 : i32
    %dma_start3A_41 = tpu.memref_slice %arg2[%add3A_40] : memref<1843200xf32, #tpu.memory_space<hbm>> -> memref<19200xf32, #tpu.memory_space<hbm>>
    %dma_start3A_42 = tpu.memref_slice %arg2[%add3A_40] : memref<1843200xf32, #tpu.memory_space<hbm>> -> memref<19200xf32, #tpu.memory_space<hbm>>
    tpu.enqueue_dma source(%dma_start3A_42 : memref<19200xf32, #tpu.memory_space<hbm>>) target(%arg6 : memref<19200xf32, #tpu.memory_space<vmem>>) target_semaphore(%arg13 : memref<!tpu.dma_semaphore, #tpu.memory_space<semaphore_mem>>)
    %add3A_43 = arith.constant 2662400 : i32
    %add3A_44 = arith.addi %add3A_43, %add3A_40 : i32
    %dma_start3A_45 = tpu.memref_slice %arg3[%add3A_44] : memref<6400000xi32, #tpu.memory_space<hbm>> -> memref<19200xi32, #tpu.memory_space<hbm>>
    %dma_start3A_46 = tpu.memref_slice %arg3[%add3A_44] : memref<6400000xi32, #tpu.memory_space<hbm>> -> memref<19200xi32, #tpu.memory_space<hbm>>
    tpu.enqueue_dma source(%dma_start3A_46 : memref<19200xi32, #tpu.memory_space<hbm>>) target(%arg7 : memref<19200xi32, #tpu.memory_space<vmem>>) target_semaphore(%arg13 : memref<!tpu.dma_semaphore, #tpu.memory_space<semaphore_mem>>)
    %dma_start3A_47 = arith.constant 0 : i32
    %dma_start3A_48 = tpu.memref_slice %arg5[%dma_start3A_47] : memref<100352xf32, #tpu.memory_space<vmem_shared>> -> memref<100352xf32, #tpu.memory_space<vmem_shared>>
    tpu.enqueue_indirect_dma source(%arg8 : memref<19200xf32, #tpu.memory_space<vmem>>) target(%dma_start3A_48 : memref<100352xf32, #tpu.memory_space<vmem_shared>>) offsets(%arg9 : memref<19200xi32, #tpu.memory_space<vmem>>) semaphore(%arg16 : memref<!tpu.dma_semaphore, #tpu.memory_space<semaphore_mem>>) {add = true}
    %dma_wait3A_49 = tpu.memref_slice %arg2[%add3A_40] : memref<1843200xf32, #tpu.memory_space<hbm>> -> memref<19200xf32, #tpu.memory_space<hbm>>
    %dma_wait3A_50 = tpu.memref_slice %arg2[%add3A_40] : memref<1843200xf32, #tpu.memory_space<hbm>> -> memref<19200xf32, #tpu.memory_space<hbm>>
    tpu.wait_dma2 semaphore(%arg13 : memref<!tpu.dma_semaphore, #tpu.memory_space<semaphore_mem>>) src(%dma_wait3A_50 : memref<19200xf32, #tpu.memory_space<hbm>>) dst(%arg6 : memref<19200xf32, #tpu.memory_space<vmem>>)
    %dma_wait3A_51 = tpu.memref_slice %arg3[%add3A_44] : memref<6400000xi32, #tpu.memory_space<hbm>> -> memref<19200xi32, #tpu.memory_space<hbm>>
    %dma_wait3A_52 = tpu.memref_slice %arg3[%add3A_44] : memref<6400000xi32, #tpu.memory_space<hbm>> -> memref<19200xi32, #tpu.memory_space<hbm>>
    tpu.wait_dma2 semaphore(%arg13 : memref<!tpu.dma_semaphore, #tpu.memory_space<semaphore_mem>>) src(%dma_wait3A_52 : memref<19200xi32, #tpu.memory_space<hbm>>) dst(%arg7 : memref<19200xi32, #tpu.memory_space<vmem>>)
    %dma_start3A_53 = arith.constant 0 : i32
    %dma_start3A_54 = tpu.memref_slice %arg5[%dma_start3A_53] : memref<100352xf32, #tpu.memory_space<vmem_shared>> -> memref<100352xf32, #tpu.memory_space<vmem_shared>>
    tpu.enqueue_indirect_dma source(%arg6 : memref<19200xf32, #tpu.memory_space<vmem>>) target(%dma_start3A_54 : memref<100352xf32, #tpu.memory_space<vmem_shared>>) offsets(%arg7 : memref<19200xi32, #tpu.memory_space<vmem>>) semaphore(%arg15 : memref<!tpu.dma_semaphore, #tpu.memory_space<semaphore_mem>>) {add = true}
    %dma_wait3A_55 = arith.constant 0 : i32
    %dma_wait3A_56 = tpu.memref_slice %arg5[%dma_wait3A_55] : memref<100352xf32, #tpu.memory_space<vmem_shared>> -> memref<100352xf32, #tpu.memory_space<vmem_shared>>
    tpu.wait_indirect_dma semaphore(%arg15 : memref<!tpu.dma_semaphore, #tpu.memory_space<semaphore_mem>>) src(%arg6 : memref<19200xf32, #tpu.memory_space<vmem>>) dst(%dma_wait3A_56 : memref<100352xf32, #tpu.memory_space<vmem_shared>>)
    %dma_wait3A_57 = arith.constant 0 : i32
    %dma_wait3A_58 = tpu.memref_slice %arg5[%dma_wait3A_57] : memref<100352xf32, #tpu.memory_space<vmem_shared>> -> memref<100352xf32, #tpu.memory_space<vmem_shared>>
    tpu.wait_indirect_dma semaphore(%arg16 : memref<!tpu.dma_semaphore, #tpu.memory_space<semaphore_mem>>) src(%arg8 : memref<19200xf32, #tpu.memory_space<vmem>>) dst(%dma_wait3A_58 : memref<100352xf32, #tpu.memory_space<vmem_shared>>)
    %barrier3A_59 = arith.constant 0 : index
    tpu.barrier barrier_id(%barrier3A_59)
    %mul3A_60 = arith.constant 6272 : i32
    %mul3A_61 = arith.muli %arg1, %mul3A_60 : i32
    "tpu.region"() ({
      %run_scoped3A = tpu.sem_alloc : memref<!tpu.dma_semaphore, #tpu.memory_space<semaphore_mem>>
      %dma_start3A_62 = arith.constant 0 : i32
      %dma_start3A_63 = tpu.memref_slice %arg4[%arg0, %arg1, %dma_start3A_62] : memref<2x16x6272xf32, #tpu.memory_space<hbm>> -> memref<1x1x6272xf32, #tpu.memory_space<hbm>>
      %dma_start3A_64 = tpu.memref_squeeze %dma_start3A_63 : memref<1x1x6272xf32, #tpu.memory_space<hbm>> -> memref<6272xf32, #tpu.memory_space<hbm>>
      %dma_start3A_65 = tpu.memref_slice %arg5[%mul3A_61] : memref<100352xf32, #tpu.memory_space<vmem_shared>> -> memref<6272xf32, #tpu.memory_space<vmem_shared>>
      tpu.enqueue_dma source(%dma_start3A_65 : memref<6272xf32, #tpu.memory_space<vmem_shared>>) target(%dma_start3A_64 : memref<6272xf32, #tpu.memory_space<hbm>>) target_semaphore(%run_scoped3A : memref<!tpu.dma_semaphore, #tpu.memory_space<semaphore_mem>>)
      %dma_wait3A_66 = arith.constant 0 : i32
      %dma_wait3A_67 = tpu.memref_slice %arg4[%arg0, %arg1, %dma_wait3A_66] : memref<2x16x6272xf32, #tpu.memory_space<hbm>> -> memref<1x1x6272xf32, #tpu.memory_space<hbm>>
      %dma_wait3A_68 = tpu.memref_squeeze %dma_wait3A_67 : memref<1x1x6272xf32, #tpu.memory_space<hbm>> -> memref<6272xf32, #tpu.memory_space<hbm>>
      %dma_wait3A_69 = tpu.memref_slice %arg5[%mul3A_61] : memref<100352xf32, #tpu.memory_space<vmem_shared>> -> memref<6272xf32, #tpu.memory_space<vmem_shared>>
      tpu.wait_dma2 semaphore(%run_scoped3A : memref<!tpu.dma_semaphore, #tpu.memory_space<semaphore_mem>>) src(%dma_wait3A_69 : memref<6272xf32, #tpu.memory_space<vmem_shared>>) dst(%dma_wait3A_68 : memref<6272xf32, #tpu.memory_space<hbm>>)
      tpu.yield
    }) : () -> ()
    return
  }
}

#map = affine_map<(d0, d1) -> (0)>
#map1 = affine_map<(d0, d1) -> (0, 0, 0)>
module attributes {stable_mosaic.version = 14 : i64} {
  func.func @body(%arg0: i32, %arg1: i32, %arg2: memref<819200xf32, #tpu.memory_space<hbm>>, %arg3: memref<6400000xi32, #tpu.memory_space<hbm>>, %arg4: memref<2x16x6272xf32, #tpu.memory_space<hbm>>, %arg5: memref<100352xf32, #tpu.memory_space<vmem_shared>>, %arg6: memref<12800xf32, #tpu.memory_space<vmem>>, %arg7: memref<12800xi32, #tpu.memory_space<vmem>>, %arg8: memref<12800xf32, #tpu.memory_space<vmem>>, %arg9: memref<12800xi32, #tpu.memory_space<vmem>>, %arg10: memref<2048xf32, #tpu.memory_space<vmem>>, %arg11: memref<2048xi32, #tpu.memory_space<vmem>>, %arg12: memref<6272xf32, #tpu.memory_space<vmem>>, %arg13: memref<!tpu.dma_semaphore, #tpu.memory_space<semaphore_mem>>, %arg14: memref<!tpu.dma_semaphore, #tpu.memory_space<semaphore_mem>>, %arg15: memref<!tpu.dma_semaphore, #tpu.memory_space<semaphore_mem>>, %arg16: memref<!tpu.dma_semaphore, #tpu.memory_space<semaphore_mem>>) attributes {dimension_semantics = [#tpu.dimension_semantics<core_parallel>, #tpu.dimension_semantics<subcore_parallel>], iteration_bounds = array<i64: 2, 16>, scalar_prefetch = 0 : i64, scratch_operands = 12 : i64, tpu.core_type = #tpu.core_type<sc_vector_subcore>, window_params = [{transform_indices = #map}, {transform_indices = #map}, {transform_indices = #map1}]} {
    %mul3A = arith.constant 2 : i32
    %mul3A_0 = arith.muli %arg1, %mul3A : i32
    %add3A = arith.addi %mul3A_0, %arg0 : i32
    %scan3A = arith.constant 0 : i32
    %scan3A_1 = arith.constant 0 : i32
    %scan3A_2 = arith.constant 392 : i32
    %scan3A_3 = arith.addi %scan3A_1, %scan3A_2 : i32
    %scan3A_4 = arith.constant 8 : i32
    %scan3A_5 = scf.for %scan3A_46 = %scan3A_1 to %scan3A_3 step %scan3A_4 iter_args(%scan3A_47 = %scan3A) -> (i32)  : i32 {
      %broadcast_in_dim3A = arith.constant 0.000000e+00 : f32
      %broadcast_in_dim3A_48 = vector.broadcast %broadcast_in_dim3A : f32 to vector<16xf32>
      %mul3A_49 = arith.constant 16 : i32
      %mul3A_50 = arith.muli %scan3A_46, %mul3A_49 : i32
      %swap3A = arith.index_cast %mul3A_50 : i32 to index
      %swap3A_51 = tpu.vector_load %arg12[%swap3A] {strides = array<i32>} : memref<6272xf32, #tpu.memory_space<vmem>>, vector<16xf32>,
      %swap3A_52 = vector.shape_cast %swap3A_51 : vector<16xf32> to vector<16xf32>
      %swap3A_53 = vector.shape_cast %broadcast_in_dim3A_48 : vector<16xf32> to vector<16xf32>
      tpu.vector_store %arg12[%swap3A], %swap3A_53 {strides = array<i32>} : memref<6272xf32, #tpu.memory_space<vmem>>, vector<16xf32>,
      %scan3A_54 = arith.constant 0 : i32
      %scan3A_55 = arith.constant 1 : i32
      %scan3A_56 = arith.addi %scan3A_46, %scan3A_55 : i32
      %broadcast_in_dim3A_57 = arith.constant 0.000000e+00 : f32
      %broadcast_in_dim3A_58 = vector.broadcast %broadcast_in_dim3A_57 : f32 to vector<16xf32>
      %mul3A_59 = arith.constant 16 : i32
      %mul3A_60 = arith.muli %scan3A_56, %mul3A_59 : i32
      %swap3A_61 = arith.index_cast %mul3A_60 : i32 to index
      %swap3A_62 = tpu.vector_load %arg12[%swap3A_61] {strides = array<i32>} : memref<6272xf32, #tpu.memory_space<vmem>>, vector<16xf32>,
      %swap3A_63 = vector.shape_cast %swap3A_62 : vector<16xf32> to vector<16xf32>
      %swap3A_64 = vector.shape_cast %broadcast_in_dim3A_58 : vector<16xf32> to vector<16xf32>
      tpu.vector_store %arg12[%swap3A_61], %swap3A_64 {strides = array<i32>} : memref<6272xf32, #tpu.memory_space<vmem>>, vector<16xf32>,
      %scan3A_65 = arith.constant 0 : i32
      %scan3A_66 = arith.constant 2 : i32
      %scan3A_67 = arith.addi %scan3A_46, %scan3A_66 : i32
      %broadcast_in_dim3A_68 = arith.constant 0.000000e+00 : f32
      %broadcast_in_dim3A_69 = vector.broadcast %broadcast_in_dim3A_68 : f32 to vector<16xf32>
      %mul3A_70 = arith.constant 16 : i32
      %mul3A_71 = arith.muli %scan3A_67, %mul3A_70 : i32
      %swap3A_72 = arith.index_cast %mul3A_71 : i32 to index
      %swap3A_73 = tpu.vector_load %arg12[%swap3A_72] {strides = array<i32>} : memref<6272xf32, #tpu.memory_space<vmem>>, vector<16xf32>,
      %swap3A_74 = vector.shape_cast %swap3A_73 : vector<16xf32> to vector<16xf32>
      %swap3A_75 = vector.shape_cast %broadcast_in_dim3A_69 : vector<16xf32> to vector<16xf32>
      tpu.vector_store %arg12[%swap3A_72], %swap3A_75 {strides = array<i32>} : memref<6272xf32, #tpu.memory_space<vmem>>, vector<16xf32>,
      %scan3A_76 = arith.constant 0 : i32
      %scan3A_77 = arith.constant 3 : i32
      %scan3A_78 = arith.addi %scan3A_46, %scan3A_77 : i32
      %broadcast_in_dim3A_79 = arith.constant 0.000000e+00 : f32
      %broadcast_in_dim3A_80 = vector.broadcast %broadcast_in_dim3A_79 : f32 to vector<16xf32>
      %mul3A_81 = arith.constant 16 : i32
      %mul3A_82 = arith.muli %scan3A_78, %mul3A_81 : i32
      %swap3A_83 = arith.index_cast %mul3A_82 : i32 to index
      %swap3A_84 = tpu.vector_load %arg12[%swap3A_83] {strides = array<i32>} : memref<6272xf32, #tpu.memory_space<vmem>>, vector<16xf32>,
      %swap3A_85 = vector.shape_cast %swap3A_84 : vector<16xf32> to vector<16xf32>
      %swap3A_86 = vector.shape_cast %broadcast_in_dim3A_80 : vector<16xf32> to vector<16xf32>
      tpu.vector_store %arg12[%swap3A_83], %swap3A_86 {strides = array<i32>} : memref<6272xf32, #tpu.memory_space<vmem>>, vector<16xf32>,
      %scan3A_87 = arith.constant 0 : i32
      %scan3A_88 = arith.constant 4 : i32
      %scan3A_89 = arith.addi %scan3A_46, %scan3A_88 : i32
      %broadcast_in_dim3A_90 = arith.constant 0.000000e+00 : f32
      %broadcast_in_dim3A_91 = vector.broadcast %broadcast_in_dim3A_90 : f32 to vector<16xf32>
      %mul3A_92 = arith.constant 16 : i32
      %mul3A_93 = arith.muli %scan3A_89, %mul3A_92 : i32
      %swap3A_94 = arith.index_cast %mul3A_93 : i32 to index
      %swap3A_95 = tpu.vector_load %arg12[%swap3A_94] {strides = array<i32>} : memref<6272xf32, #tpu.memory_space<vmem>>, vector<16xf32>,
      %swap3A_96 = vector.shape_cast %swap3A_95 : vector<16xf32> to vector<16xf32>
      %swap3A_97 = vector.shape_cast %broadcast_in_dim3A_91 : vector<16xf32> to vector<16xf32>
      tpu.vector_store %arg12[%swap3A_94], %swap3A_97 {strides = array<i32>} : memref<6272xf32, #tpu.memory_space<vmem>>, vector<16xf32>,
      %scan3A_98 = arith.constant 0 : i32
      %scan3A_99 = arith.constant 5 : i32
      %scan3A_100 = arith.addi %scan3A_46, %scan3A_99 : i32
      %broadcast_in_dim3A_101 = arith.constant 0.000000e+00 : f32
      %broadcast_in_dim3A_102 = vector.broadcast %broadcast_in_dim3A_101 : f32 to vector<16xf32>
      %mul3A_103 = arith.constant 16 : i32
      %mul3A_104 = arith.muli %scan3A_100, %mul3A_103 : i32
      %swap3A_105 = arith.index_cast %mul3A_104 : i32 to index
      %swap3A_106 = tpu.vector_load %arg12[%swap3A_105] {strides = array<i32>} : memref<6272xf32, #tpu.memory_space<vmem>>, vector<16xf32>,
      %swap3A_107 = vector.shape_cast %swap3A_106 : vector<16xf32> to vector<16xf32>
      %swap3A_108 = vector.shape_cast %broadcast_in_dim3A_102 : vector<16xf32> to vector<16xf32>
      tpu.vector_store %arg12[%swap3A_105], %swap3A_108 {strides = array<i32>} : memref<6272xf32, #tpu.memory_space<vmem>>, vector<16xf32>,
      %scan3A_109 = arith.constant 0 : i32
      %scan3A_110 = arith.constant 6 : i32
      %scan3A_111 = arith.addi %scan3A_46, %scan3A_110 : i32
      %broadcast_in_dim3A_112 = arith.constant 0.000000e+00 : f32
      %broadcast_in_dim3A_113 = vector.broadcast %broadcast_in_dim3A_112 : f32 to vector<16xf32>
      %mul3A_114 = arith.constant 16 : i32
      %mul3A_115 = arith.muli %scan3A_111, %mul3A_114 : i32
      %swap3A_116 = arith.index_cast %mul3A_115 : i32 to index
      %swap3A_117 = tpu.vector_load %arg12[%swap3A_116] {strides = array<i32>} : memref<6272xf32, #tpu.memory_space<vmem>>, vector<16xf32>,
      %swap3A_118 = vector.shape_cast %swap3A_117 : vector<16xf32> to vector<16xf32>
      %swap3A_119 = vector.shape_cast %broadcast_in_dim3A_113 : vector<16xf32> to vector<16xf32>
      tpu.vector_store %arg12[%swap3A_116], %swap3A_119 {strides = array<i32>} : memref<6272xf32, #tpu.memory_space<vmem>>, vector<16xf32>,
      %scan3A_120 = arith.constant 0 : i32
      %scan3A_121 = arith.constant 7 : i32
      %scan3A_122 = arith.addi %scan3A_46, %scan3A_121 : i32
      %broadcast_in_dim3A_123 = arith.constant 0.000000e+00 : f32
      %broadcast_in_dim3A_124 = vector.broadcast %broadcast_in_dim3A_123 : f32 to vector<16xf32>
      %mul3A_125 = arith.constant 16 : i32
      %mul3A_126 = arith.muli %scan3A_122, %mul3A_125 : i32
      %swap3A_127 = arith.index_cast %mul3A_126 : i32 to index
      %swap3A_128 = tpu.vector_load %arg12[%swap3A_127] {strides = array<i32>} : memref<6272xf32, #tpu.memory_space<vmem>>, vector<16xf32>,
      %swap3A_129 = vector.shape_cast %swap3A_128 : vector<16xf32> to vector<16xf32>
      %swap3A_130 = vector.shape_cast %broadcast_in_dim3A_124 : vector<16xf32> to vector<16xf32>
      tpu.vector_store %arg12[%swap3A_127], %swap3A_130 {strides = array<i32>} : memref<6272xf32, #tpu.memory_space<vmem>>, vector<16xf32>,
      %scan3A_131 = arith.constant 0 : i32
      scf.yield %scan3A_131 : i32
    }
    %scan3A_6 = arith.constant 392 : i32
    %mul3A_7 = arith.constant 6272 : i32
    %mul3A_8 = arith.muli %arg1, %mul3A_7 : i32
    "tpu.region"() ({
      %run_scoped3A = tpu.sem_alloc : memref<!tpu.dma_semaphore, #tpu.memory_space<semaphore_mem>>
      %dma_start3A_46 = tpu.memref_slice %arg5[%mul3A_8] : memref<100352xf32, #tpu.memory_space<vmem_shared>> -> memref<6272xf32, #tpu.memory_space<vmem_shared>>
      %dma_start3A_47 = tpu.memref_slice %arg5[%mul3A_8] : memref<100352xf32, #tpu.memory_space<vmem_shared>> -> memref<6272xf32, #tpu.memory_space<vmem_shared>>
      tpu.enqueue_dma source(%arg12 : memref<6272xf32, #tpu.memory_space<vmem>>) target(%dma_start3A_47 : memref<6272xf32, #tpu.memory_space<vmem_shared>>) target_semaphore(%run_scoped3A : memref<!tpu.dma_semaphore, #tpu.memory_space<semaphore_mem>>)
      %dma_wait3A_48 = tpu.memref_slice %arg5[%mul3A_8] : memref<100352xf32, #tpu.memory_space<vmem_shared>> -> memref<6272xf32, #tpu.memory_space<vmem_shared>>
      %dma_wait3A_49 = tpu.memref_slice %arg5[%mul3A_8] : memref<100352xf32, #tpu.memory_space<vmem_shared>> -> memref<6272xf32, #tpu.memory_space<vmem_shared>>
      tpu.wait_dma2 semaphore(%run_scoped3A : memref<!tpu.dma_semaphore, #tpu.memory_space<semaphore_mem>>) src(%arg12 : memref<6272xf32, #tpu.memory_space<vmem>>) dst(%dma_wait3A_49 : memref<6272xf32, #tpu.memory_space<vmem_shared>>)
      tpu.yield
    }) : () -> ()
    %barrier3A = arith.constant 0 : index
    tpu.barrier barrier_id(%barrier3A)
    %mul3A_9 = arith.constant 200 : i32
    %mul3A_10 = arith.muli %add3A, %mul3A_9 : i32
    %mul3A_11 = arith.constant 128 : i32
    %mul3A_12 = arith.muli %mul3A_10, %mul3A_11 : i32
    %add3A_13 = arith.constant 0 : i32
    %add3A_14 = arith.addi %mul3A_12, %add3A_13 : i32
    %dma_start3A = tpu.memref_slice %arg2[%add3A_14] : memref<819200xf32, #tpu.memory_space<hbm>> -> memref<12800xf32, #tpu.memory_space<hbm>>
    %dma_start3A_15 = tpu.memref_slice %arg2[%add3A_14] : memref<819200xf32, #tpu.memory_space<hbm>> -> memref<12800xf32, #tpu.memory_space<hbm>>
    tpu.enqueue_dma source(%dma_start3A_15 : memref<12800xf32, #tpu.memory_space<hbm>>) target(%arg6 : memref<12800xf32, #tpu.memory_space<vmem>>) target_semaphore(%arg13 : memref<!tpu.dma_semaphore, #tpu.memory_space<semaphore_mem>>)
    %add3A_16 = arith.constant 0 : i32
    %add3A_17 = arith.addi %add3A_16, %add3A_14 : i32
    %dma_start3A_18 = tpu.memref_slice %arg3[%add3A_17] : memref<6400000xi32, #tpu.memory_space<hbm>> -> memref<12800xi32, #tpu.memory_space<hbm>>
    %dma_start3A_19 = tpu.memref_slice %arg3[%add3A_17] : memref<6400000xi32, #tpu.memory_space<hbm>> -> memref<12800xi32, #tpu.memory_space<hbm>>
    tpu.enqueue_dma source(%dma_start3A_19 : memref<12800xi32, #tpu.memory_space<hbm>>) target(%arg7 : memref<12800xi32, #tpu.memory_space<vmem>>) target_semaphore(%arg13 : memref<!tpu.dma_semaphore, #tpu.memory_space<semaphore_mem>>)
    %dma_wait3A = tpu.memref_slice %arg2[%add3A_14] : memref<819200xf32, #tpu.memory_space<hbm>> -> memref<12800xf32, #tpu.memory_space<hbm>>
    %dma_wait3A_20 = tpu.memref_slice %arg2[%add3A_14] : memref<819200xf32, #tpu.memory_space<hbm>> -> memref<12800xf32, #tpu.memory_space<hbm>>
    tpu.wait_dma2 semaphore(%arg13 : memref<!tpu.dma_semaphore, #tpu.memory_space<semaphore_mem>>) src(%dma_wait3A_20 : memref<12800xf32, #tpu.memory_space<hbm>>) dst(%arg6 : memref<12800xf32, #tpu.memory_space<vmem>>)
    %dma_wait3A_21 = tpu.memref_slice %arg3[%add3A_17] : memref<6400000xi32, #tpu.memory_space<hbm>> -> memref<12800xi32, #tpu.memory_space<hbm>>
    %dma_wait3A_22 = tpu.memref_slice %arg3[%add3A_17] : memref<6400000xi32, #tpu.memory_space<hbm>> -> memref<12800xi32, #tpu.memory_space<hbm>>
    tpu.wait_dma2 semaphore(%arg13 : memref<!tpu.dma_semaphore, #tpu.memory_space<semaphore_mem>>) src(%dma_wait3A_22 : memref<12800xi32, #tpu.memory_space<hbm>>) dst(%arg7 : memref<12800xi32, #tpu.memory_space<vmem>>)
    %add3A_23 = arith.constant 12800 : i32
    %add3A_24 = arith.addi %mul3A_12, %add3A_23 : i32
    %dma_start3A_25 = tpu.memref_slice %arg2[%add3A_24] : memref<819200xf32, #tpu.memory_space<hbm>> -> memref<12800xf32, #tpu.memory_space<hbm>>
    %dma_start3A_26 = tpu.memref_slice %arg2[%add3A_24] : memref<819200xf32, #tpu.memory_space<hbm>> -> memref<12800xf32, #tpu.memory_space<hbm>>
    tpu.enqueue_dma source(%dma_start3A_26 : memref<12800xf32, #tpu.memory_space<hbm>>) target(%arg8 : memref<12800xf32, #tpu.memory_space<vmem>>) target_semaphore(%arg14 : memref<!tpu.dma_semaphore, #tpu.memory_space<semaphore_mem>>)
    %add3A_27 = arith.constant 0 : i32
    %add3A_28 = arith.addi %add3A_27, %add3A_24 : i32
    %dma_start3A_29 = tpu.memref_slice %arg3[%add3A_28] : memref<6400000xi32, #tpu.memory_space<hbm>> -> memref<12800xi32, #tpu.memory_space<hbm>>
    %dma_start3A_30 = tpu.memref_slice %arg3[%add3A_28] : memref<6400000xi32, #tpu.memory_space<hbm>> -> memref<12800xi32, #tpu.memory_space<hbm>>
    tpu.enqueue_dma source(%dma_start3A_30 : memref<12800xi32, #tpu.memory_space<hbm>>) target(%arg9 : memref<12800xi32, #tpu.memory_space<vmem>>) target_semaphore(%arg14 : memref<!tpu.dma_semaphore, #tpu.memory_space<semaphore_mem>>)
    %dma_start3A_31 = arith.constant 0 : i32
    %dma_start3A_32 = tpu.memref_slice %arg5[%dma_start3A_31] : memref<100352xf32, #tpu.memory_space<vmem_shared>> -> memref<100352xf32, #tpu.memory_space<vmem_shared>>
    tpu.enqueue_indirect_dma source(%arg6 : memref<12800xf32, #tpu.memory_space<vmem>>) target(%dma_start3A_32 : memref<100352xf32, #tpu.memory_space<vmem_shared>>) offsets(%arg7 : memref<12800xi32, #tpu.memory_space<vmem>>) semaphore(%arg15 : memref<!tpu.dma_semaphore, #tpu.memory_space<semaphore_mem>>) {add = true}
    %dma_wait3A_33 = tpu.memref_slice %arg2[%add3A_24] : memref<819200xf32, #tpu.memory_space<hbm>> -> memref<12800xf32, #tpu.memory_space<hbm>>
    %dma_wait3A_34 = tpu.memref_slice %arg2[%add3A_24] : memref<819200xf32, #tpu.memory_space<hbm>> -> memref<12800xf32, #tpu.memory_space<hbm>>
    tpu.wait_dma2 semaphore(%arg14 : memref<!tpu.dma_semaphore, #tpu.memory_space<semaphore_mem>>) src(%dma_wait3A_34 : memref<12800xf32, #tpu.memory_space<hbm>>) dst(%arg8 : memref<12800xf32, #tpu.memory_space<vmem>>)
    %dma_wait3A_35 = tpu.memref_slice %arg3[%add3A_28] : memref<6400000xi32, #tpu.memory_space<hbm>> -> memref<12800xi32, #tpu.memory_space<hbm>>
    %dma_wait3A_36 = tpu.memref_slice %arg3[%add3A_28] : memref<6400000xi32, #tpu.memory_space<hbm>> -> memref<12800xi32, #tpu.memory_space<hbm>>
    tpu.wait_dma2 semaphore(%arg14 : memref<!tpu.dma_semaphore, #tpu.memory_space<semaphore_mem>>) src(%dma_wait3A_36 : memref<12800xi32, #tpu.memory_space<hbm>>) dst(%arg9 : memref<12800xi32, #tpu.memory_space<vmem>>)
    %dma_start3A_37 = arith.constant 0 : i32
    %dma_start3A_38 = tpu.memref_slice %arg5[%dma_start3A_37] : memref<100352xf32, #tpu.memory_space<vmem_shared>> -> memref<100352xf32, #tpu.memory_space<vmem_shared>>
    tpu.enqueue_indirect_dma source(%arg8 : memref<12800xf32, #tpu.memory_space<vmem>>) target(%dma_start3A_38 : memref<100352xf32, #tpu.memory_space<vmem_shared>>) offsets(%arg9 : memref<12800xi32, #tpu.memory_space<vmem>>) semaphore(%arg16 : memref<!tpu.dma_semaphore, #tpu.memory_space<semaphore_mem>>) {add = true}
    %dma_wait3A_39 = arith.constant 0 : i32
    %dma_wait3A_40 = tpu.memref_slice %arg5[%dma_wait3A_39] : memref<100352xf32, #tpu.memory_space<vmem_shared>> -> memref<100352xf32, #tpu.memory_space<vmem_shared>>
    tpu.wait_indirect_dma semaphore(%arg15 : memref<!tpu.dma_semaphore, #tpu.memory_space<semaphore_mem>>) src(%arg6 : memref<12800xf32, #tpu.memory_space<vmem>>) dst(%dma_wait3A_40 : memref<100352xf32, #tpu.memory_space<vmem_shared>>)
    %dma_wait3A_41 = arith.constant 0 : i32
    %dma_wait3A_42 = tpu.memref_slice %arg5[%dma_wait3A_41] : memref<100352xf32, #tpu.memory_space<vmem_shared>> -> memref<100352xf32, #tpu.memory_space<vmem_shared>>
    tpu.wait_indirect_dma semaphore(%arg16 : memref<!tpu.dma_semaphore, #tpu.memory_space<semaphore_mem>>) src(%arg8 : memref<12800xf32, #tpu.memory_space<vmem>>) dst(%dma_wait3A_42 : memref<100352xf32, #tpu.memory_space<vmem_shared>>)
    %barrier3A_43 = arith.constant 0 : index
    tpu.barrier barrier_id(%barrier3A_43)
    %mul3A_44 = arith.constant 6272 : i32
    %mul3A_45 = arith.muli %arg1, %mul3A_44 : i32
    "tpu.region"() ({
      %run_scoped3A = tpu.sem_alloc : memref<!tpu.dma_semaphore, #tpu.memory_space<semaphore_mem>>
      %dma_start3A_46 = arith.constant 0 : i32
      %dma_start3A_47 = tpu.memref_slice %arg4[%arg0, %arg1, %dma_start3A_46] : memref<2x16x6272xf32, #tpu.memory_space<hbm>> -> memref<1x1x6272xf32, #tpu.memory_space<hbm>>
      %dma_start3A_48 = tpu.memref_squeeze %dma_start3A_47 : memref<1x1x6272xf32, #tpu.memory_space<hbm>> -> memref<6272xf32, #tpu.memory_space<hbm>>
      %dma_start3A_49 = tpu.memref_slice %arg5[%mul3A_45] : memref<100352xf32, #tpu.memory_space<vmem_shared>> -> memref<6272xf32, #tpu.memory_space<vmem_shared>>
      tpu.enqueue_dma source(%dma_start3A_49 : memref<6272xf32, #tpu.memory_space<vmem_shared>>) target(%dma_start3A_48 : memref<6272xf32, #tpu.memory_space<hbm>>) target_semaphore(%run_scoped3A : memref<!tpu.dma_semaphore, #tpu.memory_space<semaphore_mem>>)
      %dma_wait3A_50 = arith.constant 0 : i32
      %dma_wait3A_51 = tpu.memref_slice %arg4[%arg0, %arg1, %dma_wait3A_50] : memref<2x16x6272xf32, #tpu.memory_space<hbm>> -> memref<1x1x6272xf32, #tpu.memory_space<hbm>>
      %dma_wait3A_52 = tpu.memref_squeeze %dma_wait3A_51 : memref<1x1x6272xf32, #tpu.memory_space<hbm>> -> memref<6272xf32, #tpu.memory_space<hbm>>
      %dma_wait3A_53 = tpu.memref_slice %arg5[%mul3A_45] : memref<100352xf32, #tpu.memory_space<vmem_shared>> -> memref<6272xf32, #tpu.memory_space<vmem_shared>>
      tpu.wait_dma2 semaphore(%run_scoped3A : memref<!tpu.dma_semaphore, #tpu.memory_space<semaphore_mem>>) src(%dma_wait3A_53 : memref<6272xf32, #tpu.memory_space<vmem_shared>>) dst(%dma_wait3A_52 : memref<6272xf32, #tpu.memory_space<hbm>>)
      tpu.yield
    }) : () -> ()
    return
  }
}

#map = affine_map<(d0, d1) -> (0)>
#map1 = affine_map<(d0, d1) -> (0, 0, 0)>
module attributes {stable_mosaic.version = 14 : i64} {
  func.func @body(%arg0: i32, %arg1: i32, %arg2: memref<1843200xf32, #tpu.memory_space<hbm>>, %arg3: memref<6400000xi32, #tpu.memory_space<hbm>>, %arg4: memref<2x16x6272xf32, #tpu.memory_space<hbm>>, %arg5: memref<100352xf32, #tpu.memory_space<vmem_shared>>, %arg6: memref<19200xf32, #tpu.memory_space<vmem>>, %arg7: memref<19200xi32, #tpu.memory_space<vmem>>, %arg8: memref<19200xf32, #tpu.memory_space<vmem>>, %arg9: memref<19200xi32, #tpu.memory_space<vmem>>, %arg10: memref<2048xf32, #tpu.memory_space<vmem>>, %arg11: memref<2048xi32, #tpu.memory_space<vmem>>, %arg12: memref<6272xf32, #tpu.memory_space<vmem>>, %arg13: memref<!tpu.dma_semaphore, #tpu.memory_space<semaphore_mem>>, %arg14: memref<!tpu.dma_semaphore, #tpu.memory_space<semaphore_mem>>, %arg15: memref<!tpu.dma_semaphore, #tpu.memory_space<semaphore_mem>>, %arg16: memref<!tpu.dma_semaphore, #tpu.memory_space<semaphore_mem>>) attributes {dimension_semantics = [#tpu.dimension_semantics<core_parallel>, #tpu.dimension_semantics<subcore_parallel>], iteration_bounds = array<i64: 2, 16>, scalar_prefetch = 0 : i64, scratch_operands = 12 : i64, tpu.core_type = #tpu.core_type<sc_vector_subcore>, window_params = [{transform_indices = #map}, {transform_indices = #map}, {transform_indices = #map1}]} {
    %mul3A = arith.constant 2 : i32
    %mul3A_0 = arith.muli %arg1, %mul3A : i32
    %add3A = arith.addi %mul3A_0, %arg0 : i32
    %scan3A = arith.constant 0 : i32
    %scan3A_1 = arith.constant 0 : i32
    %scan3A_2 = arith.constant 392 : i32
    %scan3A_3 = arith.addi %scan3A_1, %scan3A_2 : i32
    %scan3A_4 = arith.constant 8 : i32
    %scan3A_5 = scf.for %scan3A_62 = %scan3A_1 to %scan3A_3 step %scan3A_4 iter_args(%scan3A_63 = %scan3A) -> (i32)  : i32 {
      %broadcast_in_dim3A = arith.constant 0.000000e+00 : f32
      %broadcast_in_dim3A_64 = vector.broadcast %broadcast_in_dim3A : f32 to vector<16xf32>
      %mul3A_65 = arith.constant 16 : i32
      %mul3A_66 = arith.muli %scan3A_62, %mul3A_65 : i32
      %swap3A = arith.index_cast %mul3A_66 : i32 to index
      %swap3A_67 = tpu.vector_load %arg12[%swap3A] {strides = array<i32>} : memref<6272xf32, #tpu.memory_space<vmem>>, vector<16xf32>,
      %swap3A_68 = vector.shape_cast %swap3A_67 : vector<16xf32> to vector<16xf32>
      %swap3A_69 = vector.shape_cast %broadcast_in_dim3A_64 : vector<16xf32> to vector<16xf32>
      tpu.vector_store %arg12[%swap3A], %swap3A_69 {strides = array<i32>} : memref<6272xf32, #tpu.memory_space<vmem>>, vector<16xf32>,
      %scan3A_70 = arith.constant 0 : i32
      %scan3A_71 = arith.constant 1 : i32
      %scan3A_72 = arith.addi %scan3A_62, %scan3A_71 : i32
      %broadcast_in_dim3A_73 = arith.constant 0.000000e+00 : f32
      %broadcast_in_dim3A_74 = vector.broadcast %broadcast_in_dim3A_73 : f32 to vector<16xf32>
      %mul3A_75 = arith.constant 16 : i32
      %mul3A_76 = arith.muli %scan3A_72, %mul3A_75 : i32
      %swap3A_77 = arith.index_cast %mul3A_76 : i32 to index
      %swap3A_78 = tpu.vector_load %arg12[%swap3A_77] {strides = array<i32>} : memref<6272xf32, #tpu.memory_space<vmem>>, vector<16xf32>,
      %swap3A_79 = vector.shape_cast %swap3A_78 : vector<16xf32> to vector<16xf32>
      %swap3A_80 = vector.shape_cast %broadcast_in_dim3A_74 : vector<16xf32> to vector<16xf32>
      tpu.vector_store %arg12[%swap3A_77], %swap3A_80 {strides = array<i32>} : memref<6272xf32, #tpu.memory_space<vmem>>, vector<16xf32>,
      %scan3A_81 = arith.constant 0 : i32
      %scan3A_82 = arith.constant 2 : i32
      %scan3A_83 = arith.addi %scan3A_62, %scan3A_82 : i32
      %broadcast_in_dim3A_84 = arith.constant 0.000000e+00 : f32
      %broadcast_in_dim3A_85 = vector.broadcast %broadcast_in_dim3A_84 : f32 to vector<16xf32>
      %mul3A_86 = arith.constant 16 : i32
      %mul3A_87 = arith.muli %scan3A_83, %mul3A_86 : i32
      %swap3A_88 = arith.index_cast %mul3A_87 : i32 to index
      %swap3A_89 = tpu.vector_load %arg12[%swap3A_88] {strides = array<i32>} : memref<6272xf32, #tpu.memory_space<vmem>>, vector<16xf32>,
      %swap3A_90 = vector.shape_cast %swap3A_89 : vector<16xf32> to vector<16xf32>
      %swap3A_91 = vector.shape_cast %broadcast_in_dim3A_85 : vector<16xf32> to vector<16xf32>
      tpu.vector_store %arg12[%swap3A_88], %swap3A_91 {strides = array<i32>} : memref<6272xf32, #tpu.memory_space<vmem>>, vector<16xf32>,
      %scan3A_92 = arith.constant 0 : i32
      %scan3A_93 = arith.constant 3 : i32
      %scan3A_94 = arith.addi %scan3A_62, %scan3A_93 : i32
      %broadcast_in_dim3A_95 = arith.constant 0.000000e+00 : f32
      %broadcast_in_dim3A_96 = vector.broadcast %broadcast_in_dim3A_95 : f32 to vector<16xf32>
      %mul3A_97 = arith.constant 16 : i32
      %mul3A_98 = arith.muli %scan3A_94, %mul3A_97 : i32
      %swap3A_99 = arith.index_cast %mul3A_98 : i32 to index
      %swap3A_100 = tpu.vector_load %arg12[%swap3A_99] {strides = array<i32>} : memref<6272xf32, #tpu.memory_space<vmem>>, vector<16xf32>,
      %swap3A_101 = vector.shape_cast %swap3A_100 : vector<16xf32> to vector<16xf32>
      %swap3A_102 = vector.shape_cast %broadcast_in_dim3A_96 : vector<16xf32> to vector<16xf32>
      tpu.vector_store %arg12[%swap3A_99], %swap3A_102 {strides = array<i32>} : memref<6272xf32, #tpu.memory_space<vmem>>, vector<16xf32>,
      %scan3A_103 = arith.constant 0 : i32
      %scan3A_104 = arith.constant 4 : i32
      %scan3A_105 = arith.addi %scan3A_62, %scan3A_104 : i32
      %broadcast_in_dim3A_106 = arith.constant 0.000000e+00 : f32
      %broadcast_in_dim3A_107 = vector.broadcast %broadcast_in_dim3A_106 : f32 to vector<16xf32>
      %mul3A_108 = arith.constant 16 : i32
      %mul3A_109 = arith.muli %scan3A_105, %mul3A_108 : i32
      %swap3A_110 = arith.index_cast %mul3A_109 : i32 to index
      %swap3A_111 = tpu.vector_load %arg12[%swap3A_110] {strides = array<i32>} : memref<6272xf32, #tpu.memory_space<vmem>>, vector<16xf32>,
      %swap3A_112 = vector.shape_cast %swap3A_111 : vector<16xf32> to vector<16xf32>
      %swap3A_113 = vector.shape_cast %broadcast_in_dim3A_107 : vector<16xf32> to vector<16xf32>
      tpu.vector_store %arg12[%swap3A_110], %swap3A_113 {strides = array<i32>} : memref<6272xf32, #tpu.memory_space<vmem>>, vector<16xf32>,
      %scan3A_114 = arith.constant 0 : i32
      %scan3A_115 = arith.constant 5 : i32
      %scan3A_116 = arith.addi %scan3A_62, %scan3A_115 : i32
      %broadcast_in_dim3A_117 = arith.constant 0.000000e+00 : f32
      %broadcast_in_dim3A_118 = vector.broadcast %broadcast_in_dim3A_117 : f32 to vector<16xf32>
      %mul3A_119 = arith.constant 16 : i32
      %mul3A_120 = arith.muli %scan3A_116, %mul3A_119 : i32
      %swap3A_121 = arith.index_cast %mul3A_120 : i32 to index
      %swap3A_122 = tpu.vector_load %arg12[%swap3A_121] {strides = array<i32>} : memref<6272xf32, #tpu.memory_space<vmem>>, vector<16xf32>,
      %swap3A_123 = vector.shape_cast %swap3A_122 : vector<16xf32> to vector<16xf32>
      %swap3A_124 = vector.shape_cast %broadcast_in_dim3A_118 : vector<16xf32> to vector<16xf32>
      tpu.vector_store %arg12[%swap3A_121], %swap3A_124 {strides = array<i32>} : memref<6272xf32, #tpu.memory_space<vmem>>, vector<16xf32>,
      %scan3A_125 = arith.constant 0 : i32
      %scan3A_126 = arith.constant 6 : i32
      %scan3A_127 = arith.addi %scan3A_62, %scan3A_126 : i32
      %broadcast_in_dim3A_128 = arith.constant 0.000000e+00 : f32
      %broadcast_in_dim3A_129 = vector.broadcast %broadcast_in_dim3A_128 : f32 to vector<16xf32>
      %mul3A_130 = arith.constant 16 : i32
      %mul3A_131 = arith.muli %scan3A_127, %mul3A_130 : i32
      %swap3A_132 = arith.index_cast %mul3A_131 : i32 to index
      %swap3A_133 = tpu.vector_load %arg12[%swap3A_132] {strides = array<i32>} : memref<6272xf32, #tpu.memory_space<vmem>>, vector<16xf32>,
      %swap3A_134 = vector.shape_cast %swap3A_133 : vector<16xf32> to vector<16xf32>
      %swap3A_135 = vector.shape_cast %broadcast_in_dim3A_129 : vector<16xf32> to vector<16xf32>
      tpu.vector_store %arg12[%swap3A_132], %swap3A_135 {strides = array<i32>} : memref<6272xf32, #tpu.memory_space<vmem>>, vector<16xf32>,
      %scan3A_136 = arith.constant 0 : i32
      %scan3A_137 = arith.constant 7 : i32
      %scan3A_138 = arith.addi %scan3A_62, %scan3A_137 : i32
      %broadcast_in_dim3A_139 = arith.constant 0.000000e+00 : f32
      %broadcast_in_dim3A_140 = vector.broadcast %broadcast_in_dim3A_139 : f32 to vector<16xf32>
      %mul3A_141 = arith.constant 16 : i32
      %mul3A_142 = arith.muli %scan3A_138, %mul3A_141 : i32
      %swap3A_143 = arith.index_cast %mul3A_142 : i32 to index
      %swap3A_144 = tpu.vector_load %arg12[%swap3A_143] {strides = array<i32>} : memref<6272xf32, #tpu.memory_space<vmem>>, vector<16xf32>,
      %swap3A_145 = vector.shape_cast %swap3A_144 : vector<16xf32> to vector<16xf32>
      %swap3A_146 = vector.shape_cast %broadcast_in_dim3A_140 : vector<16xf32> to vector<16xf32>
      tpu.vector_store %arg12[%swap3A_143], %swap3A_146 {strides = array<i32>} : memref<6272xf32, #tpu.memory_space<vmem>>, vector<16xf32>,
      %scan3A_147 = arith.constant 0 : i32
      scf.yield %scan3A_147 : i32
    }
    %scan3A_6 = arith.constant 392 : i32
    %mul3A_7 = arith.constant 6272 : i32
    %mul3A_8 = arith.muli %arg1, %mul3A_7 : i32
    "tpu.region"() ({
      %run_scoped3A = tpu.sem_alloc : memref<!tpu.dma_semaphore, #tpu.memory_space<semaphore_mem>>
      %dma_start3A_62 = tpu.memref_slice %arg5[%mul3A_8] : memref<100352xf32, #tpu.memory_space<vmem_shared>> -> memref<6272xf32, #tpu.memory_space<vmem_shared>>
      %dma_start3A_63 = tpu.memref_slice %arg5[%mul3A_8] : memref<100352xf32, #tpu.memory_space<vmem_shared>> -> memref<6272xf32, #tpu.memory_space<vmem_shared>>
      tpu.enqueue_dma source(%arg12 : memref<6272xf32, #tpu.memory_space<vmem>>) target(%dma_start3A_63 : memref<6272xf32, #tpu.memory_space<vmem_shared>>) target_semaphore(%run_scoped3A : memref<!tpu.dma_semaphore, #tpu.memory_space<semaphore_mem>>)
      %dma_wait3A_64 = tpu.memref_slice %arg5[%mul3A_8] : memref<100352xf32, #tpu.memory_space<vmem_shared>> -> memref<6272xf32, #tpu.memory_space<vmem_shared>>
      %dma_wait3A_65 = tpu.memref_slice %arg5[%mul3A_8] : memref<100352xf32, #tpu.memory_space<vmem_shared>> -> memref<6272xf32, #tpu.memory_space<vmem_shared>>
      tpu.wait_dma2 semaphore(%run_scoped3A : memref<!tpu.dma_semaphore, #tpu.memory_space<semaphore_mem>>) src(%arg12 : memref<6272xf32, #tpu.memory_space<vmem>>) dst(%dma_wait3A_65 : memref<6272xf32, #tpu.memory_space<vmem_shared>>)
      tpu.yield
    }) : () -> ()
    %barrier3A = arith.constant 0 : index
    tpu.barrier barrier_id(%barrier3A)
    %mul3A_9 = arith.constant 450 : i32
    %mul3A_10 = arith.muli %add3A, %mul3A_9 : i32
    %mul3A_11 = arith.constant 128 : i32
    %mul3A_12 = arith.muli %mul3A_10, %mul3A_11 : i32
    %add3A_13 = arith.constant 0 : i32
    %add3A_14 = arith.addi %mul3A_12, %add3A_13 : i32
    %dma_start3A = tpu.memref_slice %arg2[%add3A_14] : memref<1843200xf32, #tpu.memory_space<hbm>> -> memref<19200xf32, #tpu.memory_space<hbm>>
    %dma_start3A_15 = tpu.memref_slice %arg2[%add3A_14] : memref<1843200xf32, #tpu.memory_space<hbm>> -> memref<19200xf32, #tpu.memory_space<hbm>>
    tpu.enqueue_dma source(%dma_start3A_15 : memref<19200xf32, #tpu.memory_space<hbm>>) target(%arg6 : memref<19200xf32, #tpu.memory_space<vmem>>) target_semaphore(%arg13 : memref<!tpu.dma_semaphore, #tpu.memory_space<semaphore_mem>>)
    %add3A_16 = arith.constant 819200 : i32
    %add3A_17 = arith.addi %add3A_16, %add3A_14 : i32
    %dma_start3A_18 = tpu.memref_slice %arg3[%add3A_17] : memref<6400000xi32, #tpu.memory_space<hbm>> -> memref<19200xi32, #tpu.memory_space<hbm>>
    %dma_start3A_19 = tpu.memref_slice %arg3[%add3A_17] : memref<6400000xi32, #tpu.memory_space<hbm>> -> memref<19200xi32, #tpu.memory_space<hbm>>
    tpu.enqueue_dma source(%dma_start3A_19 : memref<19200xi32, #tpu.memory_space<hbm>>) target(%arg7 : memref<19200xi32, #tpu.memory_space<vmem>>) target_semaphore(%arg13 : memref<!tpu.dma_semaphore, #tpu.memory_space<semaphore_mem>>)
    %dma_wait3A = tpu.memref_slice %arg2[%add3A_14] : memref<1843200xf32, #tpu.memory_space<hbm>> -> memref<19200xf32, #tpu.memory_space<hbm>>
    %dma_wait3A_20 = tpu.memref_slice %arg2[%add3A_14] : memref<1843200xf32, #tpu.memory_space<hbm>> -> memref<19200xf32, #tpu.memory_space<hbm>>
    tpu.wait_dma2 semaphore(%arg13 : memref<!tpu.dma_semaphore, #tpu.memory_space<semaphore_mem>>) src(%dma_wait3A_20 : memref<19200xf32, #tpu.memory_space<hbm>>) dst(%arg6 : memref<19200xf32, #tpu.memory_space<vmem>>)
    %dma_wait3A_21 = tpu.memref_slice %arg3[%add3A_17] : memref<6400000xi32, #tpu.memory_space<hbm>> -> memref<19200xi32, #tpu.memory_space<hbm>>
    %dma_wait3A_22 = tpu.memref_slice %arg3[%add3A_17] : memref<6400000xi32, #tpu.memory_space<hbm>> -> memref<19200xi32, #tpu.memory_space<hbm>>
    tpu.wait_dma2 semaphore(%arg13 : memref<!tpu.dma_semaphore, #tpu.memory_space<semaphore_mem>>) src(%dma_wait3A_22 : memref<19200xi32, #tpu.memory_space<hbm>>) dst(%arg7 : memref<19200xi32, #tpu.memory_space<vmem>>)
    %add3A_23 = arith.constant 19200 : i32
    %add3A_24 = arith.addi %mul3A_12, %add3A_23 : i32
    %dma_start3A_25 = tpu.memref_slice %arg2[%add3A_24] : memref<1843200xf32, #tpu.memory_space<hbm>> -> memref<19200xf32, #tpu.memory_space<hbm>>
    %dma_start3A_26 = tpu.memref_slice %arg2[%add3A_24] : memref<1843200xf32, #tpu.memory_space<hbm>> -> memref<19200xf32, #tpu.memory_space<hbm>>
    tpu.enqueue_dma source(%dma_start3A_26 : memref<19200xf32, #tpu.memory_space<hbm>>) target(%arg8 : memref<19200xf32, #tpu.memory_space<vmem>>) target_semaphore(%arg14 : memref<!tpu.dma_semaphore, #tpu.memory_space<semaphore_mem>>)
    %add3A_27 = arith.constant 819200 : i32
    %add3A_28 = arith.addi %add3A_27, %add3A_24 : i32
    %dma_start3A_29 = tpu.memref_slice %arg3[%add3A_28] : memref<6400000xi32, #tpu.memory_space<hbm>> -> memref<19200xi32, #tpu.memory_space<hbm>>
    %dma_start3A_30 = tpu.memref_slice %arg3[%add3A_28] : memref<6400000xi32, #tpu.memory_space<hbm>> -> memref<19200xi32, #tpu.memory_space<hbm>>
    tpu.enqueue_dma source(%dma_start3A_30 : memref<19200xi32, #tpu.memory_space<hbm>>) target(%arg9 : memref<19200xi32, #tpu.memory_space<vmem>>) target_semaphore(%arg14 : memref<!tpu.dma_semaphore, #tpu.memory_space<semaphore_mem>>)
    %dma_start3A_31 = arith.constant 0 : i32
    %dma_start3A_32 = tpu.memref_slice %arg5[%dma_start3A_31] : memref<100352xf32, #tpu.memory_space<vmem_shared>> -> memref<100352xf32, #tpu.memory_space<vmem_shared>>
    tpu.enqueue_indirect_dma source(%arg6 : memref<19200xf32, #tpu.memory_space<vmem>>) target(%dma_start3A_32 : memref<100352xf32, #tpu.memory_space<vmem_shared>>) offsets(%arg7 : memref<19200xi32, #tpu.memory_space<vmem>>) semaphore(%arg15 : memref<!tpu.dma_semaphore, #tpu.memory_space<semaphore_mem>>) {add = true}
    %dma_wait3A_33 = tpu.memref_slice %arg2[%add3A_24] : memref<1843200xf32, #tpu.memory_space<hbm>> -> memref<19200xf32, #tpu.memory_space<hbm>>
    %dma_wait3A_34 = tpu.memref_slice %arg2[%add3A_24] : memref<1843200xf32, #tpu.memory_space<hbm>> -> memref<19200xf32, #tpu.memory_space<hbm>>
    tpu.wait_dma2 semaphore(%arg14 : memref<!tpu.dma_semaphore, #tpu.memory_space<semaphore_mem>>) src(%dma_wait3A_34 : memref<19200xf32, #tpu.memory_space<hbm>>) dst(%arg8 : memref<19200xf32, #tpu.memory_space<vmem>>)
    %dma_wait3A_35 = tpu.memref_slice %arg3[%add3A_28] : memref<6400000xi32, #tpu.memory_space<hbm>> -> memref<19200xi32, #tpu.memory_space<hbm>>
    %dma_wait3A_36 = tpu.memref_slice %arg3[%add3A_28] : memref<6400000xi32, #tpu.memory_space<hbm>> -> memref<19200xi32, #tpu.memory_space<hbm>>
    tpu.wait_dma2 semaphore(%arg14 : memref<!tpu.dma_semaphore, #tpu.memory_space<semaphore_mem>>) src(%dma_wait3A_36 : memref<19200xi32, #tpu.memory_space<hbm>>) dst(%arg9 : memref<19200xi32, #tpu.memory_space<vmem>>)
    %dma_wait3A_37 = arith.constant 0 : i32
    %dma_wait3A_38 = tpu.memref_slice %arg5[%dma_wait3A_37] : memref<100352xf32, #tpu.memory_space<vmem_shared>> -> memref<100352xf32, #tpu.memory_space<vmem_shared>>
    tpu.wait_indirect_dma semaphore(%arg15 : memref<!tpu.dma_semaphore, #tpu.memory_space<semaphore_mem>>) src(%arg6 : memref<19200xf32, #tpu.memory_space<vmem>>) dst(%dma_wait3A_38 : memref<100352xf32, #tpu.memory_space<vmem_shared>>)
    %add3A_39 = arith.constant 38400 : i32
    %add3A_40 = arith.addi %mul3A_12, %add3A_39 : i32
    %dma_start3A_41 = tpu.memref_slice %arg2[%add3A_40] : memref<1843200xf32, #tpu.memory_space<hbm>> -> memref<19200xf32, #tpu.memory_space<hbm>>
    %dma_start3A_42 = tpu.memref_slice %arg2[%add3A_40] : memref<1843200xf32, #tpu.memory_space<hbm>> -> memref<19200xf32, #tpu.memory_space<hbm>>
    tpu.enqueue_dma source(%dma_start3A_42 : memref<19200xf32, #tpu.memory_space<hbm>>) target(%arg6 : memref<19200xf32, #tpu.memory_space<vmem>>) target_semaphore(%arg13 : memref<!tpu.dma_semaphore, #tpu.memory_space<semaphore_mem>>)
    %add3A_43 = arith.constant 819200 : i32
    %add3A_44 = arith.addi %add3A_43, %add3A_40 : i32
    %dma_start3A_45 = tpu.memref_slice %arg3[%add3A_44] : memref<6400000xi32, #tpu.memory_space<hbm>> -> memref<19200xi32, #tpu.memory_space<hbm>>
    %dma_start3A_46 = tpu.memref_slice %arg3[%add3A_44] : memref<6400000xi32, #tpu.memory_space<hbm>> -> memref<19200xi32, #tpu.memory_space<hbm>>
    tpu.enqueue_dma source(%dma_start3A_46 : memref<19200xi32, #tpu.memory_space<hbm>>) target(%arg7 : memref<19200xi32, #tpu.memory_space<vmem>>) target_semaphore(%arg13 : memref<!tpu.dma_semaphore, #tpu.memory_space<semaphore_mem>>)
    %dma_start3A_47 = arith.constant 0 : i32
    %dma_start3A_48 = tpu.memref_slice %arg5[%dma_start3A_47] : memref<100352xf32, #tpu.memory_space<vmem_shared>> -> memref<100352xf32, #tpu.memory_space<vmem_shared>>
    tpu.enqueue_indirect_dma source(%arg8 : memref<19200xf32, #tpu.memory_space<vmem>>) target(%dma_start3A_48 : memref<100352xf32, #tpu.memory_space<vmem_shared>>) offsets(%arg9 : memref<19200xi32, #tpu.memory_space<vmem>>) semaphore(%arg16 : memref<!tpu.dma_semaphore, #tpu.memory_space<semaphore_mem>>) {add = true}
    %dma_wait3A_49 = tpu.memref_slice %arg2[%add3A_40] : memref<1843200xf32, #tpu.memory_space<hbm>> -> memref<19200xf32, #tpu.memory_space<hbm>>
    %dma_wait3A_50 = tpu.memref_slice %arg2[%add3A_40] : memref<1843200xf32, #tpu.memory_space<hbm>> -> memref<19200xf32, #tpu.memory_space<hbm>>
    tpu.wait_dma2 semaphore(%arg13 : memref<!tpu.dma_semaphore, #tpu.memory_space<semaphore_mem>>) src(%dma_wait3A_50 : memref<19200xf32, #tpu.memory_space<hbm>>) dst(%arg6 : memref<19200xf32, #tpu.memory_space<vmem>>)
    %dma_wait3A_51 = tpu.memref_slice %arg3[%add3A_44] : memref<6400000xi32, #tpu.memory_space<hbm>> -> memref<19200xi32, #tpu.memory_space<hbm>>
    %dma_wait3A_52 = tpu.memref_slice %arg3[%add3A_44] : memref<6400000xi32, #tpu.memory_space<hbm>> -> memref<19200xi32, #tpu.memory_space<hbm>>
    tpu.wait_dma2 semaphore(%arg13 : memref<!tpu.dma_semaphore, #tpu.memory_space<semaphore_mem>>) src(%dma_wait3A_52 : memref<19200xi32, #tpu.memory_space<hbm>>) dst(%arg7 : memref<19200xi32, #tpu.memory_space<vmem>>)
    %dma_start3A_53 = arith.constant 0 : i32
    %dma_start3A_54 = tpu.memref_slice %arg5[%dma_start3A_53] : memref<100352xf32, #tpu.memory_space<vmem_shared>> -> memref<100352xf32, #tpu.memory_space<vmem_shared>>
    tpu.enqueue_indirect_dma source(%arg6 : memref<19200xf32, #tpu.memory_space<vmem>>) target(%dma_start3A_54 : memref<100352xf32, #tpu.memory_space<vmem_shared>>) offsets(%arg7 : memref<19200xi32, #tpu.memory_space<vmem>>) semaphore(%arg15 : memref<!tpu.dma_semaphore, #tpu.memory_space<semaphore_mem>>) {add = true}
    %dma_wait3A_55 = arith.constant 0 : i32
    %dma_wait3A_56 = tpu.memref_slice %arg5[%dma_wait3A_55] : memref<100352xf32, #tpu.memory_space<vmem_shared>> -> memref<100352xf32, #tpu.memory_space<vmem_shared>>
    tpu.wait_indirect_dma semaphore(%arg15 : memref<!tpu.dma_semaphore, #tpu.memory_space<semaphore_mem>>) src(%arg6 : memref<19200xf32, #tpu.memory_space<vmem>>) dst(%dma_wait3A_56 : memref<100352xf32, #tpu.memory_space<vmem_shared>>)
    %dma_wait3A_57 = arith.constant 0 : i32
    %dma_wait3A_58 = tpu.memref_slice %arg5[%dma_wait3A_57] : memref<100352xf32, #tpu.memory_space<vmem_shared>> -> memref<100352xf32, #tpu.memory_space<vmem_shared>>
    tpu.wait_indirect_dma semaphore(%arg16 : memref<!tpu.dma_semaphore, #tpu.memory_space<semaphore_mem>>) src(%arg8 : memref<19200xf32, #tpu.memory_space<vmem>>) dst(%dma_wait3A_58 : memref<100352xf32, #tpu.memory_space<vmem_shared>>)
    %barrier3A_59 = arith.constant 0 : index
    tpu.barrier barrier_id(%barrier3A_59)
    %mul3A_60 = arith.constant 6272 : i32
    %mul3A_61 = arith.muli %arg1, %mul3A_60 : i32
    "tpu.region"() ({
      %run_scoped3A = tpu.sem_alloc : memref<!tpu.dma_semaphore, #tpu.memory_space<semaphore_mem>>
      %dma_start3A_62 = arith.constant 0 : i32
      %dma_start3A_63 = tpu.memref_slice %arg4[%arg0, %arg1, %dma_start3A_62] : memref<2x16x6272xf32, #tpu.memory_space<hbm>> -> memref<1x1x6272xf32, #tpu.memory_space<hbm>>
      %dma_start3A_64 = tpu.memref_squeeze %dma_start3A_63 : memref<1x1x6272xf32, #tpu.memory_space<hbm>> -> memref<6272xf32, #tpu.memory_space<hbm>>
      %dma_start3A_65 = tpu.memref_slice %arg5[%mul3A_61] : memref<100352xf32, #tpu.memory_space<vmem_shared>> -> memref<6272xf32, #tpu.memory_space<vmem_shared>>
      tpu.enqueue_dma source(%dma_start3A_65 : memref<6272xf32, #tpu.memory_space<vmem_shared>>) target(%dma_start3A_64 : memref<6272xf32, #tpu.memory_space<hbm>>) target_semaphore(%run_scoped3A : memref<!tpu.dma_semaphore, #tpu.memory_space<semaphore_mem>>)
      %dma_wait3A_66 = arith.constant 0 : i32
      %dma_wait3A_67 = tpu.memref_slice %arg4[%arg0, %arg1, %dma_wait3A_66] : memref<2x16x6272xf32, #tpu.memory_space<hbm>> -> memref<1x1x6272xf32, #tpu.memory_space<hbm>>
      %dma_wait3A_68 = tpu.memref_squeeze %dma_wait3A_67 : memref<1x1x6272xf32, #tpu.memory_space<hbm>> -> memref<6272xf32, #tpu.memory_space<hbm>>
      %dma_wait3A_69 = tpu.memref_slice %arg5[%mul3A_61] : memref<100352xf32, #tpu.memory_space<vmem_shared>> -> memref<6272xf32, #tpu.memory_space<vmem_shared>>
      tpu.wait_dma2 semaphore(%run_scoped3A : memref<!tpu.dma_semaphore, #tpu.memory_space<semaphore_mem>>) src(%dma_wait3A_69 : memref<6272xf32, #tpu.memory_space<vmem_shared>>) dst(%dma_wait3A_68 : memref<6272xf32, #tpu.memory_space<hbm>>)
      tpu.yield
    }) : () -> ()
    return
  }
}

#map = affine_map<(d0, d1) -> (0)>
#map1 = affine_map<(d0, d1) -> (0, 0, 0)>
module attributes {stable_mosaic.version = 14 : i64} {
  func.func @body(%arg0: i32, %arg1: i32, %arg2: memref<1894400xf32, #tpu.memory_space<hbm>>, %arg3: memref<6400000xi32, #tpu.memory_space<hbm>>, %arg4: memref<2x16x6272xf32, #tpu.memory_space<hbm>>, %arg5: memref<100352xf32, #tpu.memory_space<vmem_shared>>, %arg6: memref<19712xf32, #tpu.memory_space<vmem>>, %arg7: memref<19712xi32, #tpu.memory_space<vmem>>, %arg8: memref<19712xf32, #tpu.memory_space<vmem>>, %arg9: memref<19712xi32, #tpu.memory_space<vmem>>, %arg10: memref<2048xf32, #tpu.memory_space<vmem>>, %arg11: memref<2048xi32, #tpu.memory_space<vmem>>, %arg12: memref<6272xf32, #tpu.memory_space<vmem>>, %arg13: memref<!tpu.dma_semaphore, #tpu.memory_space<semaphore_mem>>, %arg14: memref<!tpu.dma_semaphore, #tpu.memory_space<semaphore_mem>>, %arg15: memref<!tpu.dma_semaphore, #tpu.memory_space<semaphore_mem>>, %arg16: memref<!tpu.dma_semaphore, #tpu.memory_space<semaphore_mem>>) attributes {dimension_semantics = [#tpu.dimension_semantics<core_parallel>, #tpu.dimension_semantics<subcore_parallel>], iteration_bounds = array<i64: 2, 16>, scalar_prefetch = 0 : i64, scratch_operands = 12 : i64, tpu.core_type = #tpu.core_type<sc_vector_subcore>, window_params = [{transform_indices = #map}, {transform_indices = #map}, {transform_indices = #map1}]} {
    %mul3A = arith.constant 2 : i32
    %mul3A_0 = arith.muli %arg1, %mul3A : i32
    %add3A = arith.addi %mul3A_0, %arg0 : i32
    %scan3A = arith.constant 0 : i32
    %scan3A_1 = arith.constant 0 : i32
    %scan3A_2 = arith.constant 392 : i32
    %scan3A_3 = arith.addi %scan3A_1, %scan3A_2 : i32
    %scan3A_4 = arith.constant 8 : i32
    %scan3A_5 = scf.for %scan3A_64 = %scan3A_1 to %scan3A_3 step %scan3A_4 iter_args(%scan3A_65 = %scan3A) -> (i32)  : i32 {
      %broadcast_in_dim3A = arith.constant 0.000000e+00 : f32
      %broadcast_in_dim3A_66 = vector.broadcast %broadcast_in_dim3A : f32 to vector<16xf32>
      %mul3A_67 = arith.constant 16 : i32
      %mul3A_68 = arith.muli %scan3A_64, %mul3A_67 : i32
      %swap3A = arith.index_cast %mul3A_68 : i32 to index
      %swap3A_69 = tpu.vector_load %arg12[%swap3A] {strides = array<i32>} : memref<6272xf32, #tpu.memory_space<vmem>>, vector<16xf32>,
      %swap3A_70 = vector.shape_cast %swap3A_69 : vector<16xf32> to vector<16xf32>
      %swap3A_71 = vector.shape_cast %broadcast_in_dim3A_66 : vector<16xf32> to vector<16xf32>
      tpu.vector_store %arg12[%swap3A], %swap3A_71 {strides = array<i32>} : memref<6272xf32, #tpu.memory_space<vmem>>, vector<16xf32>,
      %scan3A_72 = arith.constant 0 : i32
      %scan3A_73 = arith.constant 1 : i32
      %scan3A_74 = arith.addi %scan3A_64, %scan3A_73 : i32
      %broadcast_in_dim3A_75 = arith.constant 0.000000e+00 : f32
      %broadcast_in_dim3A_76 = vector.broadcast %broadcast_in_dim3A_75 : f32 to vector<16xf32>
      %mul3A_77 = arith.constant 16 : i32
      %mul3A_78 = arith.muli %scan3A_74, %mul3A_77 : i32
      %swap3A_79 = arith.index_cast %mul3A_78 : i32 to index
      %swap3A_80 = tpu.vector_load %arg12[%swap3A_79] {strides = array<i32>} : memref<6272xf32, #tpu.memory_space<vmem>>, vector<16xf32>,
      %swap3A_81 = vector.shape_cast %swap3A_80 : vector<16xf32> to vector<16xf32>
      %swap3A_82 = vector.shape_cast %broadcast_in_dim3A_76 : vector<16xf32> to vector<16xf32>
      tpu.vector_store %arg12[%swap3A_79], %swap3A_82 {strides = array<i32>} : memref<6272xf32, #tpu.memory_space<vmem>>, vector<16xf32>,
      %scan3A_83 = arith.constant 0 : i32
      %scan3A_84 = arith.constant 2 : i32
      %scan3A_85 = arith.addi %scan3A_64, %scan3A_84 : i32
      %broadcast_in_dim3A_86 = arith.constant 0.000000e+00 : f32
      %broadcast_in_dim3A_87 = vector.broadcast %broadcast_in_dim3A_86 : f32 to vector<16xf32>
      %mul3A_88 = arith.constant 16 : i32
      %mul3A_89 = arith.muli %scan3A_85, %mul3A_88 : i32
      %swap3A_90 = arith.index_cast %mul3A_89 : i32 to index
      %swap3A_91 = tpu.vector_load %arg12[%swap3A_90] {strides = array<i32>} : memref<6272xf32, #tpu.memory_space<vmem>>, vector<16xf32>,
      %swap3A_92 = vector.shape_cast %swap3A_91 : vector<16xf32> to vector<16xf32>
      %swap3A_93 = vector.shape_cast %broadcast_in_dim3A_87 : vector<16xf32> to vector<16xf32>
      tpu.vector_store %arg12[%swap3A_90], %swap3A_93 {strides = array<i32>} : memref<6272xf32, #tpu.memory_space<vmem>>, vector<16xf32>,
      %scan3A_94 = arith.constant 0 : i32
      %scan3A_95 = arith.constant 3 : i32
      %scan3A_96 = arith.addi %scan3A_64, %scan3A_95 : i32
      %broadcast_in_dim3A_97 = arith.constant 0.000000e+00 : f32
      %broadcast_in_dim3A_98 = vector.broadcast %broadcast_in_dim3A_97 : f32 to vector<16xf32>
      %mul3A_99 = arith.constant 16 : i32
      %mul3A_100 = arith.muli %scan3A_96, %mul3A_99 : i32
      %swap3A_101 = arith.index_cast %mul3A_100 : i32 to index
      %swap3A_102 = tpu.vector_load %arg12[%swap3A_101] {strides = array<i32>} : memref<6272xf32, #tpu.memory_space<vmem>>, vector<16xf32>,
      %swap3A_103 = vector.shape_cast %swap3A_102 : vector<16xf32> to vector<16xf32>
      %swap3A_104 = vector.shape_cast %broadcast_in_dim3A_98 : vector<16xf32> to vector<16xf32>
      tpu.vector_store %arg12[%swap3A_101], %swap3A_104 {strides = array<i32>} : memref<6272xf32, #tpu.memory_space<vmem>>, vector<16xf32>,
      %scan3A_105 = arith.constant 0 : i32
      %scan3A_106 = arith.constant 4 : i32
      %scan3A_107 = arith.addi %scan3A_64, %scan3A_106 : i32
      %broadcast_in_dim3A_108 = arith.constant 0.000000e+00 : f32
      %broadcast_in_dim3A_109 = vector.broadcast %broadcast_in_dim3A_108 : f32 to vector<16xf32>
      %mul3A_110 = arith.constant 16 : i32
      %mul3A_111 = arith.muli %scan3A_107, %mul3A_110 : i32
      %swap3A_112 = arith.index_cast %mul3A_111 : i32 to index
      %swap3A_113 = tpu.vector_load %arg12[%swap3A_112] {strides = array<i32>} : memref<6272xf32, #tpu.memory_space<vmem>>, vector<16xf32>,
      %swap3A_114 = vector.shape_cast %swap3A_113 : vector<16xf32> to vector<16xf32>
      %swap3A_115 = vector.shape_cast %broadcast_in_dim3A_109 : vector<16xf32> to vector<16xf32>
      tpu.vector_store %arg12[%swap3A_112], %swap3A_115 {strides = array<i32>} : memref<6272xf32, #tpu.memory_space<vmem>>, vector<16xf32>,
      %scan3A_116 = arith.constant 0 : i32
      %scan3A_117 = arith.constant 5 : i32
      %scan3A_118 = arith.addi %scan3A_64, %scan3A_117 : i32
      %broadcast_in_dim3A_119 = arith.constant 0.000000e+00 : f32
      %broadcast_in_dim3A_120 = vector.broadcast %broadcast_in_dim3A_119 : f32 to vector<16xf32>
      %mul3A_121 = arith.constant 16 : i32
      %mul3A_122 = arith.muli %scan3A_118, %mul3A_121 : i32
      %swap3A_123 = arith.index_cast %mul3A_122 : i32 to index
      %swap3A_124 = tpu.vector_load %arg12[%swap3A_123] {strides = array<i32>} : memref<6272xf32, #tpu.memory_space<vmem>>, vector<16xf32>,
      %swap3A_125 = vector.shape_cast %swap3A_124 : vector<16xf32> to vector<16xf32>
      %swap3A_126 = vector.shape_cast %broadcast_in_dim3A_120 : vector<16xf32> to vector<16xf32>
      tpu.vector_store %arg12[%swap3A_123], %swap3A_126 {strides = array<i32>} : memref<6272xf32, #tpu.memory_space<vmem>>, vector<16xf32>,
      %scan3A_127 = arith.constant 0 : i32
      %scan3A_128 = arith.constant 6 : i32
      %scan3A_129 = arith.addi %scan3A_64, %scan3A_128 : i32
      %broadcast_in_dim3A_130 = arith.constant 0.000000e+00 : f32
      %broadcast_in_dim3A_131 = vector.broadcast %broadcast_in_dim3A_130 : f32 to vector<16xf32>
      %mul3A_132 = arith.constant 16 : i32
      %mul3A_133 = arith.muli %scan3A_129, %mul3A_132 : i32
      %swap3A_134 = arith.index_cast %mul3A_133 : i32 to index
      %swap3A_135 = tpu.vector_load %arg12[%swap3A_134] {strides = array<i32>} : memref<6272xf32, #tpu.memory_space<vmem>>, vector<16xf32>,
      %swap3A_136 = vector.shape_cast %swap3A_135 : vector<16xf32> to vector<16xf32>
      %swap3A_137 = vector.shape_cast %broadcast_in_dim3A_131 : vector<16xf32> to vector<16xf32>
      tpu.vector_store %arg12[%swap3A_134], %swap3A_137 {strides = array<i32>} : memref<6272xf32, #tpu.memory_space<vmem>>, vector<16xf32>,
      %scan3A_138 = arith.constant 0 : i32
      %scan3A_139 = arith.constant 7 : i32
      %scan3A_140 = arith.addi %scan3A_64, %scan3A_139 : i32
      %broadcast_in_dim3A_141 = arith.constant 0.000000e+00 : f32
      %broadcast_in_dim3A_142 = vector.broadcast %broadcast_in_dim3A_141 : f32 to vector<16xf32>
      %mul3A_143 = arith.constant 16 : i32
      %mul3A_144 = arith.muli %scan3A_140, %mul3A_143 : i32
      %swap3A_145 = arith.index_cast %mul3A_144 : i32 to index
      %swap3A_146 = tpu.vector_load %arg12[%swap3A_145] {strides = array<i32>} : memref<6272xf32, #tpu.memory_space<vmem>>, vector<16xf32>,
      %swap3A_147 = vector.shape_cast %swap3A_146 : vector<16xf32> to vector<16xf32>
      %swap3A_148 = vector.shape_cast %broadcast_in_dim3A_142 : vector<16xf32> to vector<16xf32>
      tpu.vector_store %arg12[%swap3A_145], %swap3A_148 {strides = array<i32>} : memref<6272xf32, #tpu.memory_space<vmem>>, vector<16xf32>,
      %scan3A_149 = arith.constant 0 : i32
      scf.yield %scan3A_149 : i32
    }
    %scan3A_6 = arith.constant 392 : i32
    %mul3A_7 = arith.constant 6272 : i32
    %mul3A_8 = arith.muli %arg1, %mul3A_7 : i32
    "tpu.region"() ({
      %run_scoped3A = tpu.sem_alloc : memref<!tpu.dma_semaphore, #tpu.memory_space<semaphore_mem>>
      %dma_start3A_64 = tpu.memref_slice %arg5[%mul3A_8] : memref<100352xf32, #tpu.memory_space<vmem_shared>> -> memref<6272xf32, #tpu.memory_space<vmem_shared>>
      %dma_start3A_65 = tpu.memref_slice %arg5[%mul3A_8] : memref<100352xf32, #tpu.memory_space<vmem_shared>> -> memref<6272xf32, #tpu.memory_space<vmem_shared>>
      tpu.enqueue_dma source(%arg12 : memref<6272xf32, #tpu.memory_space<vmem>>) target(%dma_start3A_65 : memref<6272xf32, #tpu.memory_space<vmem_shared>>) target_semaphore(%run_scoped3A : memref<!tpu.dma_semaphore, #tpu.memory_space<semaphore_mem>>)
      %dma_wait3A_66 = tpu.memref_slice %arg5[%mul3A_8] : memref<100352xf32, #tpu.memory_space<vmem_shared>> -> memref<6272xf32, #tpu.memory_space<vmem_shared>>
      %dma_wait3A_67 = tpu.memref_slice %arg5[%mul3A_8] : memref<100352xf32, #tpu.memory_space<vmem_shared>> -> memref<6272xf32, #tpu.memory_space<vmem_shared>>
      tpu.wait_dma2 semaphore(%run_scoped3A : memref<!tpu.dma_semaphore, #tpu.memory_space<semaphore_mem>>) src(%arg12 : memref<6272xf32, #tpu.memory_space<vmem>>) dst(%dma_wait3A_67 : memref<6272xf32, #tpu.memory_space<vmem_shared>>)
      tpu.yield
    }) : () -> ()
    %barrier3A = arith.constant 0 : index
    tpu.barrier barrier_id(%barrier3A)
    %mul3A_9 = arith.constant 462 : i32
    %mul3A_10 = arith.muli %add3A, %mul3A_9 : i32
    %mul3A_11 = arith.constant 128 : i32
    %mul3A_12 = arith.muli %mul3A_10, %mul3A_11 : i32
    %add3A_13 = arith.constant 0 : i32
    %add3A_14 = arith.addi %mul3A_12, %add3A_13 : i32
    %dma_start3A = tpu.memref_slice %arg2[%add3A_14] : memref<1894400xf32, #tpu.memory_space<hbm>> -> memref<19712xf32, #tpu.memory_space<hbm>>
    %dma_start3A_15 = tpu.memref_slice %arg2[%add3A_14] : memref<1894400xf32, #tpu.memory_space<hbm>> -> memref<19712xf32, #tpu.memory_space<hbm>>
    tpu.enqueue_dma source(%dma_start3A_15 : memref<19712xf32, #tpu.memory_space<hbm>>) target(%arg6 : memref<19712xf32, #tpu.memory_space<vmem>>) target_semaphore(%arg13 : memref<!tpu.dma_semaphore, #tpu.memory_space<semaphore_mem>>)
    %add3A_16 = arith.constant 4505600 : i32
    %add3A_17 = arith.addi %add3A_16, %add3A_14 : i32
    %dma_start3A_18 = tpu.memref_slice %arg3[%add3A_17] : memref<6400000xi32, #tpu.memory_space<hbm>> -> memref<19712xi32, #tpu.memory_space<hbm>>
    %dma_start3A_19 = tpu.memref_slice %arg3[%add3A_17] : memref<6400000xi32, #tpu.memory_space<hbm>> -> memref<19712xi32, #tpu.memory_space<hbm>>
    tpu.enqueue_dma source(%dma_start3A_19 : memref<19712xi32, #tpu.memory_space<hbm>>) target(%arg7 : memref<19712xi32, #tpu.memory_space<vmem>>) target_semaphore(%arg13 : memref<!tpu.dma_semaphore, #tpu.memory_space<semaphore_mem>>)
    %dma_wait3A = tpu.memref_slice %arg2[%add3A_14] : memref<1894400xf32, #tpu.memory_space<hbm>> -> memref<19712xf32, #tpu.memory_space<hbm>>
    %dma_wait3A_20 = tpu.memref_slice %arg2[%add3A_14] : memref<1894400xf32, #tpu.memory_space<hbm>> -> memref<19712xf32, #tpu.memory_space<hbm>>
    tpu.wait_dma2 semaphore(%arg13 : memref<!tpu.dma_semaphore, #tpu.memory_space<semaphore_mem>>) src(%dma_wait3A_20 : memref<19712xf32, #tpu.memory_space<hbm>>) dst(%arg6 : memref<19712xf32, #tpu.memory_space<vmem>>)
    %dma_wait3A_21 = tpu.memref_slice %arg3[%add3A_17] : memref<6400000xi32, #tpu.memory_space<hbm>> -> memref<19712xi32, #tpu.memory_space<hbm>>
    %dma_wait3A_22 = tpu.memref_slice %arg3[%add3A_17] : memref<6400000xi32, #tpu.memory_space<hbm>> -> memref<19712xi32, #tpu.memory_space<hbm>>
    tpu.wait_dma2 semaphore(%arg13 : memref<!tpu.dma_semaphore, #tpu.memory_space<semaphore_mem>>) src(%dma_wait3A_22 : memref<19712xi32, #tpu.memory_space<hbm>>) dst(%arg7 : memref<19712xi32, #tpu.memory_space<vmem>>)
    %add3A_23 = arith.constant 19712 : i32
    %add3A_24 = arith.addi %mul3A_12, %add3A_23 : i32
    %dma_start3A_25 = tpu.memref_slice %arg2[%add3A_24] : memref<1894400xf32, #tpu.memory_space<hbm>> -> memref<19712xf32, #tpu.memory_space<hbm>>
    %dma_start3A_26 = tpu.memref_slice %arg2[%add3A_24] : memref<1894400xf32, #tpu.memory_space<hbm>> -> memref<19712xf32, #tpu.memory_space<hbm>>
    tpu.enqueue_dma source(%dma_start3A_26 : memref<19712xf32, #tpu.memory_space<hbm>>) target(%arg8 : memref<19712xf32, #tpu.memory_space<vmem>>) target_semaphore(%arg14 : memref<!tpu.dma_semaphore, #tpu.memory_space<semaphore_mem>>)
    %add3A_27 = arith.constant 4505600 : i32
    %add3A_28 = arith.addi %add3A_27, %add3A_24 : i32
    %dma_start3A_29 = tpu.memref_slice %arg3[%add3A_28] : memref<6400000xi32, #tpu.memory_space<hbm>> -> memref<19712xi32, #tpu.memory_space<hbm>>
    %dma_start3A_30 = tpu.memref_slice %arg3[%add3A_28] : memref<6400000xi32, #tpu.memory_space<hbm>> -> memref<19712xi32, #tpu.memory_space<hbm>>
    tpu.enqueue_dma source(%dma_start3A_30 : memref<19712xi32, #tpu.memory_space<hbm>>) target(%arg9 : memref<19712xi32, #tpu.memory_space<vmem>>) target_semaphore(%arg14 : memref<!tpu.dma_semaphore, #tpu.memory_space<semaphore_mem>>)
    %dma_start3A_31 = arith.constant 0 : i32
    %dma_start3A_32 = tpu.memref_slice %arg5[%dma_start3A_31] : memref<100352xf32, #tpu.memory_space<vmem_shared>> -> memref<100352xf32, #tpu.memory_space<vmem_shared>>
    tpu.enqueue_indirect_dma source(%arg6 : memref<19712xf32, #tpu.memory_space<vmem>>) target(%dma_start3A_32 : memref<100352xf32, #tpu.memory_space<vmem_shared>>) offsets(%arg7 : memref<19712xi32, #tpu.memory_space<vmem>>) semaphore(%arg15 : memref<!tpu.dma_semaphore, #tpu.memory_space<semaphore_mem>>) {add = true}
    %dma_wait3A_33 = tpu.memref_slice %arg2[%add3A_24] : memref<1894400xf32, #tpu.memory_space<hbm>> -> memref<19712xf32, #tpu.memory_space<hbm>>
    %dma_wait3A_34 = tpu.memref_slice %arg2[%add3A_24] : memref<1894400xf32, #tpu.memory_space<hbm>> -> memref<19712xf32, #tpu.memory_space<hbm>>
    tpu.wait_dma2 semaphore(%arg14 : memref<!tpu.dma_semaphore, #tpu.memory_space<semaphore_mem>>) src(%dma_wait3A_34 : memref<19712xf32, #tpu.memory_space<hbm>>) dst(%arg8 : memref<19712xf32, #tpu.memory_space<vmem>>)
    %dma_wait3A_35 = tpu.memref_slice %arg3[%add3A_28] : memref<6400000xi32, #tpu.memory_space<hbm>> -> memref<19712xi32, #tpu.memory_space<hbm>>
    %dma_wait3A_36 = tpu.memref_slice %arg3[%add3A_28] : memref<6400000xi32, #tpu.memory_space<hbm>> -> memref<19712xi32, #tpu.memory_space<hbm>>
    tpu.wait_dma2 semaphore(%arg14 : memref<!tpu.dma_semaphore, #tpu.memory_space<semaphore_mem>>) src(%dma_wait3A_36 : memref<19712xi32, #tpu.memory_space<hbm>>) dst(%arg9 : memref<19712xi32, #tpu.memory_space<vmem>>)
    %dma_wait3A_37 = arith.constant 0 : i32
    %dma_wait3A_38 = tpu.memref_slice %arg5[%dma_wait3A_37] : memref<100352xf32, #tpu.memory_space<vmem_shared>> -> memref<100352xf32, #tpu.memory_space<vmem_shared>>
    tpu.wait_indirect_dma semaphore(%arg15 : memref<!tpu.dma_semaphore, #tpu.memory_space<semaphore_mem>>) src(%arg6 : memref<19712xf32, #tpu.memory_space<vmem>>) dst(%dma_wait3A_38 : memref<100352xf32, #tpu.memory_space<vmem_shared>>)
    %add3A_39 = arith.constant 39424 : i32
    %add3A_40 = arith.addi %mul3A_12, %add3A_39 : i32
    %dma_start3A_41 = tpu.memref_slice %arg2[%add3A_40] : memref<1894400xf32, #tpu.memory_space<hbm>> -> memref<19712xf32, #tpu.memory_space<hbm>>
    %dma_start3A_42 = tpu.memref_slice %arg2[%add3A_40] : memref<1894400xf32, #tpu.memory_space<hbm>> -> memref<19712xf32, #tpu.memory_space<hbm>>
    tpu.enqueue_dma source(%dma_start3A_42 : memref<19712xf32, #tpu.memory_space<hbm>>) target(%arg6 : memref<19712xf32, #tpu.memory_space<vmem>>) target_semaphore(%arg13 : memref<!tpu.dma_semaphore, #tpu.memory_space<semaphore_mem>>)
    %add3A_43 = arith.constant 4505600 : i32
    %add3A_44 = arith.addi %add3A_43, %add3A_40 : i32
    %dma_start3A_45 = tpu.memref_slice %arg3[%add3A_44] : memref<6400000xi32, #tpu.memory_space<hbm>> -> memref<19712xi32, #tpu.memory_space<hbm>>
    %dma_start3A_46 = tpu.memref_slice %arg3[%add3A_44] : memref<6400000xi32, #tpu.memory_space<hbm>> -> memref<19712xi32, #tpu.memory_space<hbm>>
    tpu.enqueue_dma source(%dma_start3A_46 : memref<19712xi32, #tpu.memory_space<hbm>>) target(%arg7 : memref<19712xi32, #tpu.memory_space<vmem>>) target_semaphore(%arg13 : memref<!tpu.dma_semaphore, #tpu.memory_space<semaphore_mem>>)
    %dma_start3A_47 = arith.constant 0 : i32
    %dma_start3A_48 = tpu.memref_slice %arg5[%dma_start3A_47] : memref<100352xf32, #tpu.memory_space<vmem_shared>> -> memref<100352xf32, #tpu.memory_space<vmem_shared>>
    tpu.enqueue_indirect_dma source(%arg8 : memref<19712xf32, #tpu.memory_space<vmem>>) target(%dma_start3A_48 : memref<100352xf32, #tpu.memory_space<vmem_shared>>) offsets(%arg9 : memref<19712xi32, #tpu.memory_space<vmem>>) semaphore(%arg16 : memref<!tpu.dma_semaphore, #tpu.memory_space<semaphore_mem>>) {add = true}
    %dma_wait3A_49 = tpu.memref_slice %arg2[%add3A_40] : memref<1894400xf32, #tpu.memory_space<hbm>> -> memref<19712xf32, #tpu.memory_space<hbm>>
    %dma_wait3A_50 = tpu.memref_slice %arg2[%add3A_40] : memref<1894400xf32, #tpu.memory_space<hbm>> -> memref<19712xf32, #tpu.memory_space<hbm>>
    tpu.wait_dma2 semaphore(%arg13 : memref<!tpu.dma_semaphore, #tpu.memory_space<semaphore_mem>>) src(%dma_wait3A_50 : memref<19712xf32, #tpu.memory_space<hbm>>) dst(%arg6 : memref<19712xf32, #tpu.memory_space<vmem>>)
    %dma_wait3A_51 = tpu.memref_slice %arg3[%add3A_44] : memref<6400000xi32, #tpu.memory_space<hbm>> -> memref<19712xi32, #tpu.memory_space<hbm>>
    %dma_wait3A_52 = tpu.memref_slice %arg3[%add3A_44] : memref<6400000xi32, #tpu.memory_space<hbm>> -> memref<19712xi32, #tpu.memory_space<hbm>>
    tpu.wait_dma2 semaphore(%arg13 : memref<!tpu.dma_semaphore, #tpu.memory_space<semaphore_mem>>) src(%dma_wait3A_52 : memref<19712xi32, #tpu.memory_space<hbm>>) dst(%arg7 : memref<19712xi32, #tpu.memory_space<vmem>>)
    %dma_start3A_53 = arith.constant 0 : i32
    %dma_start3A_54 = tpu.memref_slice %arg5[%dma_start3A_53] : memref<100352xf32, #tpu.memory_space<vmem_shared>> -> memref<100352xf32, #tpu.memory_space<vmem_shared>>
    tpu.enqueue_indirect_dma source(%arg6 : memref<19712xf32, #tpu.memory_space<vmem>>) target(%dma_start3A_54 : memref<100352xf32, #tpu.memory_space<vmem_shared>>) offsets(%arg7 : memref<19712xi32, #tpu.memory_space<vmem>>) semaphore(%arg15 : memref<!tpu.dma_semaphore, #tpu.memory_space<semaphore_mem>>) {add = true}
    %dma_wait3A_55 = arith.constant 0 : i32
    %dma_wait3A_56 = tpu.memref_slice %arg5[%dma_wait3A_55] : memref<100352xf32, #tpu.memory_space<vmem_shared>> -> memref<100352xf32, #tpu.memory_space<vmem_shared>>
    tpu.wait_indirect_dma semaphore(%arg15 : memref<!tpu.dma_semaphore, #tpu.memory_space<semaphore_mem>>) src(%arg6 : memref<19712xf32, #tpu.memory_space<vmem>>) dst(%dma_wait3A_56 : memref<100352xf32, #tpu.memory_space<vmem_shared>>)
    %dma_wait3A_57 = arith.constant 0 : i32
    %dma_wait3A_58 = tpu.memref_slice %arg5[%dma_wait3A_57] : memref<100352xf32, #tpu.memory_space<vmem_shared>> -> memref<100352xf32, #tpu.memory_space<vmem_shared>>
    tpu.wait_indirect_dma semaphore(%arg16 : memref<!tpu.dma_semaphore, #tpu.memory_space<semaphore_mem>>) src(%arg8 : memref<19712xf32, #tpu.memory_space<vmem>>) dst(%dma_wait3A_58 : memref<100352xf32, #tpu.memory_space<vmem_shared>>)
    %eq3A = arith.constant 0 : i32
    %eq3A_59 = arith.cmpi eq, %add3A, %eq3A : i32
    %convert_element_type3A = arith.extui %eq3A_59 : i1 to i32
    %cond3A = arith.constant 0 : i32
    %cond3A_60 = arith.cmpi ne, %convert_element_type3A, %cond3A : i32
    scf.if %cond3A_60 {
      "tpu.region"() ({
        %run_scoped3A = tpu.sem_alloc : memref<!tpu.dma_semaphore, #tpu.memory_space<semaphore_mem>>
        %dma_start3A_64 = arith.constant 1892352 : i32
        %dma_start3A_65 = tpu.memref_slice %arg2[%dma_start3A_64] : memref<1894400xf32, #tpu.memory_space<hbm>> -> memref<2048xf32, #tpu.memory_space<hbm>>
        %dma_start3A_66 = arith.constant 1892352 : i32
        %dma_start3A_67 = tpu.memref_slice %arg2[%dma_start3A_66] : memref<1894400xf32, #tpu.memory_space<hbm>> -> memref<2048xf32, #tpu.memory_space<hbm>>
        tpu.enqueue_dma source(%dma_start3A_67 : memref<2048xf32, #tpu.memory_space<hbm>>) target(%arg10 : memref<2048xf32, #tpu.memory_space<vmem>>) target_semaphore(%run_scoped3A : memref<!tpu.dma_semaphore, #tpu.memory_space<semaphore_mem>>)
        %dma_wait3A_68 = arith.constant 1892352 : i32
        %dma_wait3A_69 = tpu.memref_slice %arg2[%dma_wait3A_68] : memref<1894400xf32, #tpu.memory_space<hbm>> -> memref<2048xf32, #tpu.memory_space<hbm>>
        %dma_wait3A_70 = arith.constant 1892352 : i32
        %dma_wait3A_71 = tpu.memref_slice %arg2[%dma_wait3A_70] : memref<1894400xf32, #tpu.memory_space<hbm>> -> memref<2048xf32, #tpu.memory_space<hbm>>
        tpu.wait_dma2 semaphore(%run_scoped3A : memref<!tpu.dma_semaphore, #tpu.memory_space<semaphore_mem>>) src(%dma_wait3A_71 : memref<2048xf32, #tpu.memory_space<hbm>>) dst(%arg10 : memref<2048xf32, #tpu.memory_space<vmem>>)
        tpu.yield
      }) : () -> ()
      "tpu.region"() ({
        %run_scoped3A = tpu.sem_alloc : memref<!tpu.dma_semaphore, #tpu.memory_space<semaphore_mem>>
        %dma_start3A_64 = arith.constant 6397952 : i32
        %dma_start3A_65 = tpu.memref_slice %arg3[%dma_start3A_64] : memref<6400000xi32, #tpu.memory_space<hbm>> -> memref<2048xi32, #tpu.memory_space<hbm>>
        %dma_start3A_66 = arith.constant 6397952 : i32
        %dma_start3A_67 = tpu.memref_slice %arg3[%dma_start3A_66] : memref<6400000xi32, #tpu.memory_space<hbm>> -> memref<2048xi32, #tpu.memory_space<hbm>>
        tpu.enqueue_dma source(%dma_start3A_67 : memref<2048xi32, #tpu.memory_space<hbm>>) target(%arg11 : memref<2048xi32, #tpu.memory_space<vmem>>) target_semaphore(%run_scoped3A : memref<!tpu.dma_semaphore, #tpu.memory_space<semaphore_mem>>)
        %dma_wait3A_68 = arith.constant 6397952 : i32
        %dma_wait3A_69 = tpu.memref_slice %arg3[%dma_wait3A_68] : memref<6400000xi32, #tpu.memory_space<hbm>> -> memref<2048xi32, #tpu.memory_space<hbm>>
        %dma_wait3A_70 = arith.constant 6397952 : i32
        %dma_wait3A_71 = tpu.memref_slice %arg3[%dma_wait3A_70] : memref<6400000xi32, #tpu.memory_space<hbm>> -> memref<2048xi32, #tpu.memory_space<hbm>>
        tpu.wait_dma2 semaphore(%run_scoped3A : memref<!tpu.dma_semaphore, #tpu.memory_space<semaphore_mem>>) src(%dma_wait3A_71 : memref<2048xi32, #tpu.memory_space<hbm>>) dst(%arg11 : memref<2048xi32, #tpu.memory_space<vmem>>)
        tpu.yield
      }) : () -> ()
      "tpu.region"() ({
        %run_scoped3A = tpu.sem_alloc : memref<!tpu.dma_semaphore, #tpu.memory_space<semaphore_mem>>
        %dma_start3A_64 = arith.constant 0 : i32
        %dma_start3A_65 = tpu.memref_slice %arg5[%dma_start3A_64] : memref<100352xf32, #tpu.memory_space<vmem_shared>> -> memref<100352xf32, #tpu.memory_space<vmem_shared>>
        tpu.enqueue_indirect_dma source(%arg10 : memref<2048xf32, #tpu.memory_space<vmem>>) target(%dma_start3A_65 : memref<100352xf32, #tpu.memory_space<vmem_shared>>) offsets(%arg11 : memref<2048xi32, #tpu.memory_space<vmem>>) semaphore(%run_scoped3A : memref<!tpu.dma_semaphore, #tpu.memory_space<semaphore_mem>>) {add = true}
        %dma_wait3A_66 = arith.constant 0 : i32
        %dma_wait3A_67 = tpu.memref_slice %arg5[%dma_wait3A_66] : memref<100352xf32, #tpu.memory_space<vmem_shared>> -> memref<100352xf32, #tpu.memory_space<vmem_shared>>
        tpu.wait_indirect_dma semaphore(%run_scoped3A : memref<!tpu.dma_semaphore, #tpu.memory_space<semaphore_mem>>) src(%arg10 : memref<2048xf32, #tpu.memory_space<vmem>>) dst(%dma_wait3A_67 : memref<100352xf32, #tpu.memory_space<vmem_shared>>)
        tpu.yield
      }) : () -> ()
    } else {
    }
    %barrier3A_61 = arith.constant 0 : index
    tpu.barrier barrier_id(%barrier3A_61)
    %mul3A_62 = arith.constant 6272 : i32
    %mul3A_63 = arith.muli %arg1, %mul3A_62 : i32
    "tpu.region"() ({
      %run_scoped3A = tpu.sem_alloc : memref<!tpu.dma_semaphore, #tpu.memory_space<semaphore_mem>>
      %dma_start3A_64 = arith.constant 0 : i32
      %dma_start3A_65 = tpu.memref_slice %arg4[%arg0, %arg1, %dma_start3A_64] : memref<2x16x6272xf32, #tpu.memory_space<hbm>> -> memref<1x1x6272xf32, #tpu.memory_space<hbm>>
      %dma_start3A_66 = tpu.memref_squeeze %dma_start3A_65 : memref<1x1x6272xf32, #tpu.memory_space<hbm>> -> memref<6272xf32, #tpu.memory_space<hbm>>
      %dma_start3A_67 = tpu.memref_slice %arg5[%mul3A_63] : memref<100352xf32, #tpu.memory_space<vmem_shared>> -> memref<6272xf32, #tpu.memory_space<vmem_shared>>
      tpu.enqueue_dma source(%dma_start3A_67 : memref<6272xf32, #tpu.memory_space<vmem_shared>>) target(%dma_start3A_66 : memref<6272xf32, #tpu.memory_space<hbm>>) target_semaphore(%run_scoped3A : memref<!tpu.dma_semaphore, #tpu.memory_space<semaphore_mem>>)
      %dma_wait3A_68 = arith.constant 0 : i32
      %dma_wait3A_69 = tpu.memref_slice %arg4[%arg0, %arg1, %dma_wait3A_68] : memref<2x16x6272xf32, #tpu.memory_space<hbm>> -> memref<1x1x6272xf32, #tpu.memory_space<hbm>>
      %dma_wait3A_70 = tpu.memref_squeeze %dma_wait3A_69 : memref<1x1x6272xf32, #tpu.memory_space<hbm>> -> memref<6272xf32, #tpu.memory_space<hbm>>
      %dma_wait3A_71 = tpu.memref_slice %arg5[%mul3A_63] : memref<100352xf32, #tpu.memory_space<vmem_shared>> -> memref<6272xf32, #tpu.memory_space<vmem_shared>>
      tpu.wait_dma2 semaphore(%run_scoped3A : memref<!tpu.dma_semaphore, #tpu.memory_space<semaphore_mem>>) src(%dma_wait3A_71 : memref<6272xf32, #tpu.memory_space<vmem_shared>>) dst(%dma_wait3A_70 : memref<6272xf32, #tpu.memory_space<hbm>>)
      tpu.yield
    }) : () -> ()
    return
  }
}

module attributes {stable_mosaic.version = 14 : i64} {
  func.func @_forces_energy_body(%arg0: i32, %arg1: memref<3x51200xf32, #tpu.memory_space<vmem>>, %arg2: memref<3x51200xf32, #tpu.memory_space<vmem>>, %arg3: memref<3x51200xf32, #tpu.memory_space<vmem>>, %arg4: memref<400x128xf32, #tpu.memory_space<vmem>>) attributes {dimension_semantics = [#tpu.dimension_semantics<arbitrary>], iteration_bounds = array<i64: 16>, scalar_prefetch = 0 : i64, scratch_operands = 0 : i64, tpu.core_type = #tpu.core_type<tc>, window_params = [{transform_indices = @transform_0, window_bounds = array<i64: 3, 51200>}, {transform_indices = @transform_1, window_bounds = array<i64: 3, 51200>}, {transform_indices = @transform_2, window_bounds = array<i64: 3, 51200>}, {transform_indices = @transform_3, window_bounds = array<i64: 400, 128>}]} {
    %get3A = arith.constant 0 : index
    %get3A_0 = arith.constant 0 : index
    %get3A_1 = vector.load %arg1[%get3A, %get3A_0] : memref<3x51200xf32, #tpu.memory_space<vmem>>, vector<3x51200xf32>
    %get3A_2 = arith.constant 0 : index
    %get3A_3 = arith.constant 0 : index
    %get3A_4 = vector.load %arg2[%get3A_2, %get3A_3] : memref<3x51200xf32, #tpu.memory_space<vmem>>, vector<3x51200xf32>
    %sub3A = arith.subf %get3A_1, %get3A_4 : vector<3x51200xf32>
    %sub3A_5 = arith.subf %get3A_4, %get3A_1 : vector<3x51200xf32>
    %swap3A = arith.constant 0 : index
    %swap3A_6 = arith.constant 0 : index
    %swap3A_7 = vector.load %arg3[%swap3A, %swap3A_6] : memref<3x51200xf32, #tpu.memory_space<vmem>>, vector<3x51200xf32>
    tpu.vector_store %arg3[%swap3A, %swap3A_6], %sub3A_5 {strides = array<i32>} : memref<3x51200xf32, #tpu.memory_space<vmem>>, vector<3x51200xf32>,
    %mul3A = arith.mulf %sub3A, %sub3A : vector<3x51200xf32>
    %slice3A = vector.extract_strided_slice %mul3A {offsets = [0, 0], sizes = [1, 51200], strides = [1, 1]} : vector<3x51200xf32> to vector<1x51200xf32>
    %squeeze3A = vector.shape_cast %slice3A : vector<1x51200xf32> to vector<51200xf32>
    %slice3A_8 = vector.extract_strided_slice %mul3A {offsets = [1, 0], sizes = [1, 51200], strides = [1, 1]} : vector<3x51200xf32> to vector<1x51200xf32>
    %squeeze3A_9 = vector.shape_cast %slice3A_8 : vector<1x51200xf32> to vector<51200xf32>
    %add3A = arith.addf %squeeze3A, %squeeze3A_9 : vector<51200xf32>
    %slice3A_10 = vector.extract_strided_slice %mul3A {offsets = [2, 0], sizes = [1, 51200], strides = [1, 1]} : vector<3x51200xf32> to vector<1x51200xf32>
    %squeeze3A_11 = vector.shape_cast %slice3A_10 : vector<1x51200xf32> to vector<51200xf32>
    %add3A_12 = arith.addf %add3A, %squeeze3A_11 : vector<51200xf32>
    %mul3A_13 = arith.constant 5.000000e-01 : f32
    %mul3A_14 = vector.broadcast %mul3A_13 : f32 to vector<51200xf32>
    %mul3A_15 = arith.mulf %add3A_12, %mul3A_14 : vector<51200xf32>
    %reshape3A = vector.shape_cast %mul3A_15 : vector<51200xf32> to vector<400x128xf32>
    %swap3A_16 = arith.constant 0 : index
    %swap3A_17 = arith.constant 0 : index
    %swap3A_18 = vector.load %arg4[%swap3A_16, %swap3A_17] : memref<400x128xf32, #tpu.memory_space<vmem>>, vector<400x128xf32>
    tpu.vector_store %arg4[%swap3A_16, %swap3A_17], %reshape3A {strides = array<i32>} : memref<400x128xf32, #tpu.memory_space<vmem>>, vector<400x128xf32>,
    return
  }
  func.func @transform_0(%arg0: i32) -> (i32, i32) {
    %add3A = arith.constant 0 : i32
    %add3A_0 = arith.addi %add3A, %arg0 : i32
    %c0_i32 = arith.constant 0 : i32
    %c0_i32_1 = arith.constant 0 : i32
    return %c0_i32, %add3A_0 : i32, i32
  }
  func.func @transform_1(%arg0: i32) -> (i32, i32) {
    %add3A = arith.constant 0 : i32
    %add3A_0 = arith.addi %add3A, %arg0 : i32
    %c0_i32 = arith.constant 0 : i32
    %c0_i32_1 = arith.constant 0 : i32
    return %c0_i32, %add3A_0 : i32, i32
  }
  func.func @transform_2(%arg0: i32) -> (i32, i32) {
    %add3A = arith.constant 0 : i32
    %add3A_0 = arith.addi %add3A, %arg0 : i32
    %c0_i32 = arith.constant 0 : i32
    %c0_i32_1 = arith.constant 0 : i32
    return %c0_i32, %add3A_0 : i32, i32
  }
  func.func @transform_3(%arg0: i32) -> (i32, i32) {
    %c0_i32 = arith.constant 0 : i32
    %c0_i32_0 = arith.constant 0 : i32
    return %arg0, %c0_i32 : i32, i32
  }
}

module attributes {stable_mosaic.version = 14 : i64} {
  func.func @_forces_energy_body(%arg0: i32, %arg1: memref<3x51200xf32, #tpu.memory_space<vmem>>, %arg2: memref<3x51200xf32, #tpu.memory_space<vmem>>, %arg3: memref<3x6400000xf32, #tpu.memory_space<any>>, %arg4: memref<3x51200xf32, #tpu.memory_space<vmem>>, %arg5: memref<400x128xf32, #tpu.memory_space<vmem>>) attributes {dimension_semantics = [#tpu.dimension_semantics<arbitrary>], iteration_bounds = array<i64: 36>, scalar_prefetch = 0 : i64, scratch_operands = 0 : i64, tpu.core_type = #tpu.core_type<tc>, window_params = [{transform_indices = @transform_0, window_bounds = array<i64: 3, 51200>}, {transform_indices = @transform_1, window_bounds = array<i64: 3, 51200>}, {}, {transform_indices = @transform_3, window_bounds = array<i64: 3, 51200>}, {transform_indices = @transform_4, window_bounds = array<i64: 400, 128>}]} {
    %get3A = arith.constant 0 : index
    %get3A_0 = arith.constant 0 : index
    %get3A_1 = vector.load %arg1[%get3A, %get3A_0] : memref<3x51200xf32, #tpu.memory_space<vmem>>, vector<3x51200xf32>
    %get3A_2 = arith.constant 0 : index
    %get3A_3 = arith.constant 0 : index
    %get3A_4 = vector.load %arg2[%get3A_2, %get3A_3] : memref<3x51200xf32, #tpu.memory_space<vmem>>, vector<3x51200xf32>
    %sub3A = arith.subf %get3A_1, %get3A_4 : vector<3x51200xf32>
    %sub3A_5 = arith.subf %get3A_4, %get3A_1 : vector<3x51200xf32>
    %swap3A = arith.constant 0 : index
    %swap3A_6 = arith.constant 0 : index
    %swap3A_7 = vector.load %arg4[%swap3A, %swap3A_6] : memref<3x51200xf32, #tpu.memory_space<vmem>>, vector<3x51200xf32>
    tpu.vector_store %arg4[%swap3A, %swap3A_6], %sub3A_5 {strides = array<i32>} : memref<3x51200xf32, #tpu.memory_space<vmem>>, vector<3x51200xf32>,
    %mul3A = arith.mulf %sub3A, %sub3A : vector<3x51200xf32>
    %slice3A = vector.extract_strided_slice %mul3A {offsets = [0, 0], sizes = [1, 51200], strides = [1, 1]} : vector<3x51200xf32> to vector<1x51200xf32>
    %squeeze3A = vector.shape_cast %slice3A : vector<1x51200xf32> to vector<51200xf32>
    %slice3A_8 = vector.extract_strided_slice %mul3A {offsets = [1, 0], sizes = [1, 51200], strides = [1, 1]} : vector<3x51200xf32> to vector<1x51200xf32>
    %squeeze3A_9 = vector.shape_cast %slice3A_8 : vector<1x51200xf32> to vector<51200xf32>
    %add3A = arith.addf %squeeze3A, %squeeze3A_9 : vector<51200xf32>
    %slice3A_10 = vector.extract_strided_slice %mul3A {offsets = [2, 0], sizes = [1, 51200], strides = [1, 1]} : vector<3x51200xf32> to vector<1x51200xf32>
    %squeeze3A_11 = vector.shape_cast %slice3A_10 : vector<1x51200xf32> to vector<51200xf32>
    %add3A_12 = arith.addf %add3A, %squeeze3A_11 : vector<51200xf32>
    %mul3A_13 = arith.constant 5.000000e-01 : f32
    %mul3A_14 = vector.broadcast %mul3A_13 : f32 to vector<51200xf32>
    %mul3A_15 = arith.mulf %add3A_12, %mul3A_14 : vector<51200xf32>
    %reshape3A = vector.shape_cast %mul3A_15 : vector<51200xf32> to vector<400x128xf32>
    %swap3A_16 = arith.constant 0 : index
    %swap3A_17 = arith.constant 0 : index
    %swap3A_18 = vector.load %arg5[%swap3A_16, %swap3A_17] : memref<400x128xf32, #tpu.memory_space<vmem>>, vector<400x128xf32>
    tpu.vector_store %arg5[%swap3A_16, %swap3A_17], %reshape3A {strides = array<i32>} : memref<400x128xf32, #tpu.memory_space<vmem>>, vector<400x128xf32>,
    return
  }
  func.func @transform_0(%arg0: i32) -> (i32, i32) {
    %add3A = arith.constant 16 : i32
    %add3A_0 = arith.addi %add3A, %arg0 : i32
    %c0_i32 = arith.constant 0 : i32
    %c0_i32_1 = arith.constant 0 : i32
    return %c0_i32, %add3A_0 : i32, i32
  }
  func.func @transform_1(%arg0: i32) -> (i32, i32) {
    %add3A = arith.constant 16 : i32
    %add3A_0 = arith.addi %add3A, %arg0 : i32
    %c0_i32 = arith.constant 0 : i32
    %c0_i32_1 = arith.constant 0 : i32
    return %c0_i32, %add3A_0 : i32, i32
  }
  func.func @transform_3(%arg0: i32) -> (i32, i32) {
    %add3A = arith.constant 16 : i32
    %add3A_0 = arith.addi %add3A, %arg0 : i32
    %c0_i32 = arith.constant 0 : i32
    %c0_i32_1 = arith.constant 0 : i32
    return %c0_i32, %add3A_0 : i32, i32
  }
  func.func @transform_4(%arg0: i32) -> (i32, i32) {
    %c0_i32 = arith.constant 0 : i32
    %c0_i32_0 = arith.constant 0 : i32
    return %arg0, %c0_i32 : i32, i32
  }
}

module attributes {stable_mosaic.version = 14 : i64} {
  func.func @_forces_energy_body(%arg0: i32, %arg1: memref<3x51200xf32, #tpu.memory_space<vmem>>, %arg2: memref<3x51200xf32, #tpu.memory_space<vmem>>, %arg3: memref<3x6400000xf32, #tpu.memory_space<any>>, %arg4: memref<3x51200xf32, #tpu.memory_space<vmem>>, %arg5: memref<400x128xf32, #tpu.memory_space<vmem>>) attributes {dimension_semantics = [#tpu.dimension_semantics<arbitrary>], iteration_bounds = array<i64: 37>, scalar_prefetch = 0 : i64, scratch_operands = 0 : i64, tpu.core_type = #tpu.core_type<tc>, window_params = [{transform_indices = @transform_0, window_bounds = array<i64: 3, 51200>}, {transform_indices = @transform_1, window_bounds = array<i64: 3, 51200>}, {}, {transform_indices = @transform_3, window_bounds = array<i64: 3, 51200>}, {transform_indices = @transform_4, window_bounds = array<i64: 400, 128>}]} {
    %get3A = arith.constant 0 : index
    %get3A_0 = arith.constant 0 : index
    %get3A_1 = vector.load %arg1[%get3A, %get3A_0] : memref<3x51200xf32, #tpu.memory_space<vmem>>, vector<3x51200xf32>
    %get3A_2 = arith.constant 0 : index
    %get3A_3 = arith.constant 0 : index
    %get3A_4 = vector.load %arg2[%get3A_2, %get3A_3] : memref<3x51200xf32, #tpu.memory_space<vmem>>, vector<3x51200xf32>
    %sub3A = arith.subf %get3A_1, %get3A_4 : vector<3x51200xf32>
    %sub3A_5 = arith.subf %get3A_4, %get3A_1 : vector<3x51200xf32>
    %swap3A = arith.constant 0 : index
    %swap3A_6 = arith.constant 0 : index
    %swap3A_7 = vector.load %arg4[%swap3A, %swap3A_6] : memref<3x51200xf32, #tpu.memory_space<vmem>>, vector<3x51200xf32>
    tpu.vector_store %arg4[%swap3A, %swap3A_6], %sub3A_5 {strides = array<i32>} : memref<3x51200xf32, #tpu.memory_space<vmem>>, vector<3x51200xf32>,
    %mul3A = arith.mulf %sub3A, %sub3A : vector<3x51200xf32>
    %slice3A = vector.extract_strided_slice %mul3A {offsets = [0, 0], sizes = [1, 51200], strides = [1, 1]} : vector<3x51200xf32> to vector<1x51200xf32>
    %squeeze3A = vector.shape_cast %slice3A : vector<1x51200xf32> to vector<51200xf32>
    %slice3A_8 = vector.extract_strided_slice %mul3A {offsets = [1, 0], sizes = [1, 51200], strides = [1, 1]} : vector<3x51200xf32> to vector<1x51200xf32>
    %squeeze3A_9 = vector.shape_cast %slice3A_8 : vector<1x51200xf32> to vector<51200xf32>
    %add3A = arith.addf %squeeze3A, %squeeze3A_9 : vector<51200xf32>
    %slice3A_10 = vector.extract_strided_slice %mul3A {offsets = [2, 0], sizes = [1, 51200], strides = [1, 1]} : vector<3x51200xf32> to vector<1x51200xf32>
    %squeeze3A_11 = vector.shape_cast %slice3A_10 : vector<1x51200xf32> to vector<51200xf32>
    %add3A_12 = arith.addf %add3A, %squeeze3A_11 : vector<51200xf32>
    %mul3A_13 = arith.constant 5.000000e-01 : f32
    %mul3A_14 = vector.broadcast %mul3A_13 : f32 to vector<51200xf32>
    %mul3A_15 = arith.mulf %add3A_12, %mul3A_14 : vector<51200xf32>
    %reshape3A = vector.shape_cast %mul3A_15 : vector<51200xf32> to vector<400x128xf32>
    %swap3A_16 = arith.constant 0 : index
    %swap3A_17 = arith.constant 0 : index
    %swap3A_18 = vector.load %arg5[%swap3A_16, %swap3A_17] : memref<400x128xf32, #tpu.memory_space<vmem>>, vector<400x128xf32>
    tpu.vector_store %arg5[%swap3A_16, %swap3A_17], %reshape3A {strides = array<i32>} : memref<400x128xf32, #tpu.memory_space<vmem>>, vector<400x128xf32>,
    return
  }
  func.func @transform_0(%arg0: i32) -> (i32, i32) {
    %add3A = arith.constant 88 : i32
    %add3A_0 = arith.addi %add3A, %arg0 : i32
    %c0_i32 = arith.constant 0 : i32
    %c0_i32_1 = arith.constant 0 : i32
    return %c0_i32, %add3A_0 : i32, i32
  }
  func.func @transform_1(%arg0: i32) -> (i32, i32) {
    %add3A = arith.constant 88 : i32
    %add3A_0 = arith.addi %add3A, %arg0 : i32
    %c0_i32 = arith.constant 0 : i32
    %c0_i32_1 = arith.constant 0 : i32
    return %c0_i32, %add3A_0 : i32, i32
  }
  func.func @transform_3(%arg0: i32) -> (i32, i32) {
    %add3A = arith.constant 88 : i32
    %add3A_0 = arith.addi %add3A, %arg0 : i32
    %c0_i32 = arith.constant 0 : i32
    %c0_i32_1 = arith.constant 0 : i32
    return %c0_i32, %add3A_0 : i32, i32
  }
  func.func @transform_4(%arg0: i32) -> (i32, i32) {
    %c0_i32 = arith.constant 0 : i32
    %c0_i32_0 = arith.constant 0 : i32
    return %arg0, %c0_i32 : i32, i32
  }
}

module attributes {stable_mosaic.version = 14 : i64} {
  func.func @_forces_energy_body(%arg0: i32, %arg1: memref<3x51200xf32, #tpu.memory_space<vmem>>, %arg2: memref<3x51200xf32, #tpu.memory_space<vmem>>, %arg3: memref<3x6400000xf32, #tpu.memory_space<any>>, %arg4: memref<3x51200xf32, #tpu.memory_space<vmem>>, %arg5: memref<400x128xf32, #tpu.memory_space<vmem>>) attributes {dimension_semantics = [#tpu.dimension_semantics<arbitrary>], iteration_bounds = array<i64: 36>, scalar_prefetch = 0 : i64, scratch_operands = 0 : i64, tpu.core_type = #tpu.core_type<tc>, window_params = [{transform_indices = @transform_0, window_bounds = array<i64: 3, 51200>}, {transform_indices = @transform_1, window_bounds = array<i64: 3, 51200>}, {}, {transform_indices = @transform_3, window_bounds = array<i64: 3, 51200>}, {transform_indices = @transform_4, window_bounds = array<i64: 400, 128>}]} {
    %get3A = arith.constant 0 : index
    %get3A_0 = arith.constant 0 : index
    %get3A_1 = vector.load %arg1[%get3A, %get3A_0] : memref<3x51200xf32, #tpu.memory_space<vmem>>, vector<3x51200xf32>
    %get3A_2 = arith.constant 0 : index
    %get3A_3 = arith.constant 0 : index
    %get3A_4 = vector.load %arg2[%get3A_2, %get3A_3] : memref<3x51200xf32, #tpu.memory_space<vmem>>, vector<3x51200xf32>
    %sub3A = arith.subf %get3A_1, %get3A_4 : vector<3x51200xf32>
    %sub3A_5 = arith.subf %get3A_4, %get3A_1 : vector<3x51200xf32>
    %swap3A = arith.constant 0 : index
    %swap3A_6 = arith.constant 0 : index
    %swap3A_7 = vector.load %arg4[%swap3A, %swap3A_6] : memref<3x51200xf32, #tpu.memory_space<vmem>>, vector<3x51200xf32>
    tpu.vector_store %arg4[%swap3A, %swap3A_6], %sub3A_5 {strides = array<i32>} : memref<3x51200xf32, #tpu.memory_space<vmem>>, vector<3x51200xf32>,
    %mul3A = arith.mulf %sub3A, %sub3A : vector<3x51200xf32>
    %slice3A = vector.extract_strided_slice %mul3A {offsets = [0, 0], sizes = [1, 51200], strides = [1, 1]} : vector<3x51200xf32> to vector<1x51200xf32>
    %squeeze3A = vector.shape_cast %slice3A : vector<1x51200xf32> to vector<51200xf32>
    %slice3A_8 = vector.extract_strided_slice %mul3A {offsets = [1, 0], sizes = [1, 51200], strides = [1, 1]} : vector<3x51200xf32> to vector<1x51200xf32>
    %squeeze3A_9 = vector.shape_cast %slice3A_8 : vector<1x51200xf32> to vector<51200xf32>
    %add3A = arith.addf %squeeze3A, %squeeze3A_9 : vector<51200xf32>
    %slice3A_10 = vector.extract_strided_slice %mul3A {offsets = [2, 0], sizes = [1, 51200], strides = [1, 1]} : vector<3x51200xf32> to vector<1x51200xf32>
    %squeeze3A_11 = vector.shape_cast %slice3A_10 : vector<1x51200xf32> to vector<51200xf32>
    %add3A_12 = arith.addf %add3A, %squeeze3A_11 : vector<51200xf32>
    %mul3A_13 = arith.constant 5.000000e-01 : f32
    %mul3A_14 = vector.broadcast %mul3A_13 : f32 to vector<51200xf32>
    %mul3A_15 = arith.mulf %add3A_12, %mul3A_14 : vector<51200xf32>
    %reshape3A = vector.shape_cast %mul3A_15 : vector<51200xf32> to vector<400x128xf32>
    %swap3A_16 = arith.constant 0 : index
    %swap3A_17 = arith.constant 0 : index
    %swap3A_18 = vector.load %arg5[%swap3A_16, %swap3A_17] : memref<400x128xf32, #tpu.memory_space<vmem>>, vector<400x128xf32>
    tpu.vector_store %arg5[%swap3A_16, %swap3A_17], %reshape3A {strides = array<i32>} : memref<400x128xf32, #tpu.memory_space<vmem>>, vector<400x128xf32>,
    return
  }
  func.func @transform_0(%arg0: i32) -> (i32, i32) {
    %add3A = arith.constant 52 : i32
    %add3A_0 = arith.addi %add3A, %arg0 : i32
    %c0_i32 = arith.constant 0 : i32
    %c0_i32_1 = arith.constant 0 : i32
    return %c0_i32, %add3A_0 : i32, i32
  }
  func.func @transform_1(%arg0: i32) -> (i32, i32) {
    %add3A = arith.constant 52 : i32
    %add3A_0 = arith.addi %add3A, %arg0 : i32
    %c0_i32 = arith.constant 0 : i32
    %c0_i32_1 = arith.constant 0 : i32
    return %c0_i32, %add3A_0 : i32, i32
  }
  func.func @transform_3(%arg0: i32) -> (i32, i32) {
    %add3A = arith.constant 52 : i32
    %add3A_0 = arith.addi %add3A, %arg0 : i32
    %c0_i32 = arith.constant 0 : i32
    %c0_i32_1 = arith.constant 0 : i32
    return %c0_i32, %add3A_0 : i32, i32
  }
  func.func @transform_4(%arg0: i32) -> (i32, i32) {
    %c0_i32 = arith.constant 0 : i32
    %c0_i32_0 = arith.constant 0 : i32
    return %arg0, %c0_i32 : i32, i32
  }
}

module attributes {stable_mosaic.version = 14 : i64} {
  func.func @_combine_body(%arg0: memref<2x784x128xf32, #tpu.memory_space<vmem>>, %arg1: memref<2x784x128xf32, #tpu.memory_space<vmem>>, %arg2: memref<2x784x128xf32, #tpu.memory_space<vmem>>, %arg3: memref<2x784x128xf32, #tpu.memory_space<vmem>>, %arg4: memref<784x128xf32, #tpu.memory_space<vmem>>) attributes {dimension_semantics = [], scalar_prefetch = 0 : i64, scratch_operands = 0 : i64, tpu.core_type = #tpu.core_type<tc>} {
    %get3A = arith.constant 0 : index
    %get3A_0 = arith.constant 0 : index
    %get3A_1 = arith.constant 0 : index
    %get3A_2 = vector.load %arg0[%get3A, %get3A_0, %get3A_1] : memref<2x784x128xf32, #tpu.memory_space<vmem>>, vector<1x784x128xf32>
    %get3A_3 = vector.shape_cast %get3A_2 : vector<1x784x128xf32> to vector<784x128xf32>
    %get3A_4 = arith.constant 1 : index
    %get3A_5 = arith.constant 0 : index
    %get3A_6 = arith.constant 0 : index
    %get3A_7 = vector.load %arg0[%get3A_4, %get3A_5, %get3A_6] : memref<2x784x128xf32, #tpu.memory_space<vmem>>, vector<1x784x128xf32>
    %get3A_8 = vector.shape_cast %get3A_7 : vector<1x784x128xf32> to vector<784x128xf32>
    %add3A = arith.addf %get3A_3, %get3A_8 : vector<784x128xf32>
    %get3A_9 = arith.constant 0 : index
    %get3A_10 = arith.constant 0 : index
    %get3A_11 = arith.constant 0 : index
    %get3A_12 = vector.load %arg1[%get3A_9, %get3A_10, %get3A_11] : memref<2x784x128xf32, #tpu.memory_space<vmem>>, vector<1x784x128xf32>
    %get3A_13 = vector.shape_cast %get3A_12 : vector<1x784x128xf32> to vector<784x128xf32>
    %add3A_14 = arith.addf %add3A, %get3A_13 : vector<784x128xf32>
    %get3A_15 = arith.constant 1 : index
    %get3A_16 = arith.constant 0 : index
    %get3A_17 = arith.constant 0 : index
    %get3A_18 = vector.load %arg1[%get3A_15, %get3A_16, %get3A_17] : memref<2x784x128xf32, #tpu.memory_space<vmem>>, vector<1x784x128xf32>
    %get3A_19 = vector.shape_cast %get3A_18 : vector<1x784x128xf32> to vector<784x128xf32>
    %add3A_20 = arith.addf %add3A_14, %get3A_19 : vector<784x128xf32>
    %get3A_21 = arith.constant 0 : index
    %get3A_22 = arith.constant 0 : index
    %get3A_23 = arith.constant 0 : index
    %get3A_24 = vector.load %arg2[%get3A_21, %get3A_22, %get3A_23] : memref<2x784x128xf32, #tpu.memory_space<vmem>>, vector<1x784x128xf32>
    %get3A_25 = vector.shape_cast %get3A_24 : vector<1x784x128xf32> to vector<784x128xf32>
    %add3A_26 = arith.addf %add3A_20, %get3A_25 : vector<784x128xf32>
    %get3A_27 = arith.constant 1 : index
    %get3A_28 = arith.constant 0 : index
    %get3A_29 = arith.constant 0 : index
    %get3A_30 = vector.load %arg2[%get3A_27, %get3A_28, %get3A_29] : memref<2x784x128xf32, #tpu.memory_space<vmem>>, vector<1x784x128xf32>
    %get3A_31 = vector.shape_cast %get3A_30 : vector<1x784x128xf32> to vector<784x128xf32>
    %add3A_32 = arith.addf %add3A_26, %get3A_31 : vector<784x128xf32>
    %get3A_33 = arith.constant 0 : index
    %get3A_34 = arith.constant 0 : index
    %get3A_35 = arith.constant 0 : index
    %get3A_36 = vector.load %arg3[%get3A_33, %get3A_34, %get3A_35] : memref<2x784x128xf32, #tpu.memory_space<vmem>>, vector<1x784x128xf32>
    %get3A_37 = vector.shape_cast %get3A_36 : vector<1x784x128xf32> to vector<784x128xf32>
    %add3A_38 = arith.addf %add3A_32, %get3A_37 : vector<784x128xf32>
    %get3A_39 = arith.constant 1 : index
    %get3A_40 = arith.constant 0 : index
    %get3A_41 = arith.constant 0 : index
    %get3A_42 = vector.load %arg3[%get3A_39, %get3A_40, %get3A_41] : memref<2x784x128xf32, #tpu.memory_space<vmem>>, vector<1x784x128xf32>
    %get3A_43 = vector.shape_cast %get3A_42 : vector<1x784x128xf32> to vector<784x128xf32>
    %add3A_44 = arith.addf %add3A_38, %get3A_43 : vector<784x128xf32>
    %swap3A = arith.constant 0 : index
    %swap3A_45 = arith.constant 0 : index
    %swap3A_46 = vector.load %arg4[%swap3A, %swap3A_45] : memref<784x128xf32, #tpu.memory_space<vmem>>, vector<784x128xf32>
    tpu.vector_store %arg4[%swap3A, %swap3A_45], %add3A_44 {strides = array<i32>} : memref<784x128xf32, #tpu.memory_space<vmem>>, vector<784x128xf32>,
    return
  }
}

</mosaic_0001>

<sc_bundles>
// kernel: kernel.11.cloned.1.call-start
scs
__scs_entry_jumppad:
0x0: {  	(pc) =	sbr.rel $0x88, $3  }
0x1: {  	(tag) =	ssettag $0x0;
	lr =	simm.s32 $0x1  }
0x2: {  	[smem:$0x3F9E] =	sst lr;
	_ =	strace $0xD0000000  }
0x3: {  	_ = 	snop  }
0x4: {  	_ = 	snop  }
0x5: {  	_ = 	snop  }
0x6: {  	_ = 	snop  }
0x7: {  	_ = 	snop  }
__scs_overlays_trampoline_lowered:
0x8: {  	[smem:$0x3FAD] =	sst s0  }
0x9: {  	[smem:$0x3FAE] =	sst s1  }
0xa: {  	[smem:$0x3FAF] =	sst s2  }
0xb: {  	[smem:$0x3FB0] =	sst s3  }
0xc: {  	[smem:$0x3FB1] =	sst s4  }
0xd: {  	[smem:$0x3FB2] =	sst s5  }
0xe: {  	[smem:$0x3FB3] =	sst s6  }
0xf: {  	[smem:$0x3FB4] =	sst s7  }
0x10: {  	[smem:$0x3FB5] =	sst s8  }
0x11: {  	[smem:$0x3FB6] =	sst s9;
	s0 =	simm.s32 @!p0 $0x0  }
0x12: {  	s1 =	sld [smem:$0x3F9C];
	s0 =	simm.s32 @p0 $0x1  }
0x13: {  	[smem:$0x3FB7] =	sst s0;
	s0 =	simm.s32 @!p1 $0x0  }
0x14: {  	s2 =	sld [smem:$0x3F9B];
	s0 =	simm.s32 @p1 $0x1  }
0x15: {  	[smem:$0x3FB8] =	sst s0;
	s0 =	simm.s32 @!p2 $0x0  }
0x16: {  	s3 =	sld [smem:$0x3FDB];
	s0 =	simm.s32 @p2 $0x1  }
0x17: {  	s4 =	simm.s32 $0x1BF5;
	[smem:$0x3FBA] =	sst s0  }
0x18: {  	s0 =	sld [smem:$0x3F9D];
	_ =	swait.ge [sflag:s4], $0x0  }
0x19: {  	s7 =	sld [smem:$0x3F9E]  }
0x1a: {  	s8 =	sadd.s32 $0xFFFFE003, lr  }
0x1b: {  	s9 =	sadd.s32 $0xFFFFFEF7, lr;
	s5 =	simm.s32 $0xFFFFFFFF;
	p2 =	slt.u32 s8, $0xFFFFF086  }
0x1c: {  	p1 =	slt.u32 s9, $0xF7A;
	s5 =	simm.s32 @!p2 $0x0  }
0x1d: {  	s5 =	simm.s32 @p1 $0x1;
	p0 =	seq.s32 s7, s2  }
0x1e: {  	s7 =	smul.u32 @!p0 $0xF7A, s2;
	p2 =	seq.s32 @!p0 s5, $0x0  }
0x1f: {  	s9 =	smul.u32 $0xF7A, s1;
	s8 =	simm.s32 @!p0 $0x1BF5;
	p2 =	por !p2, p0  }
0x20: {  	[sflag:s8] =	ssyncset.s32 @!p0 $0xFFFFF086;
	s6 =	sadd.s32 @!p0 s3, s7;
	s7 =	simm.s32 @!p0 $0x108  }
0x21: {  	s3 =	sadd.s32 s3, s9;
	s6 =	sadd.s32 @!p0 $0x88, s6;
	s7 =	simm.s32 @p2 $0x1082  }
0x22: {  	[simem:s7], [sflag:s8] =	dma.local @!p0 [hbm:s6], $0xF7A  }
0x23: {  	s9 =	sor.u32 $0xD0000000, s2;
	s6 =	simm.s32 $0x108;
	_ =	swait.ge @!p0 [sflag:s8], $0x0  }
0x24: {  	s3 =	sadd.s32 $0x88, s3;
	s6 =	simm.s32 @!p1 $0x1082;
	[sflag:s4] =	ssyncset.s32 $0xFFFFF086  }
0x25: {  	[simem:s6], [sflag:s4] =	dma.local [hbm:s3], $0xF7A  }
0x26: {  	[smem:$0x3F9E] =	sst s1;
	(tag) =	ssettag s2;
	_ =	strace s9  }
0x27: {  	s1 =	sld [smem:$0x3FAE]  }
0x28: {  	s2 =	sld [smem:$0x3FAF]  }
0x29: {  	s4 =	sld [smem:$0x3FB1]  }
0x2a: {  	p0 =	seq.s32 s5, $0x0;
	s5 =	sld [smem:$0x3FB2]  }
0x2b: {  	s6 =	sld [smem:$0x3FB3]  }
0x2c: {  	s7 =	sld [smem:$0x3FB4]  }
0x2d: {  	s3 =	simm.s32 $0x108;
	s8 =	sld [smem:$0x3FB5]  }
0x2e: {  	s3 =	simm.s32 @!p0 $0x1082;
	s9 =	sld [smem:$0x3FB6]  }
0x2f: {  	lr =	sadd.s32 s0, s3;
	s0 =	sld [smem:$0x3FAD]  }
0x30: {  	s3 =	sld [smem:$0x3FB0]  }
0x31: {  	[smem:$0x3FB9] =	sst s10  }
0x32: {  	s10 =	sld [smem:$0x3FB7];
	_ =	sdelay $0x3  }
0x33: {  	p0 =	seq.s32 s10, $0x1;
	s10 =	sld [smem:$0x3FB9];
	_ =	sdelay $0x3  }
0x34: {  	[smem:$0x3FB9] =	sst s10  }
0x35: {  	s10 =	sld [smem:$0x3FB8];
	_ =	sdelay $0x3  }
0x36: {  	p1 =	seq.s32 s10, $0x1;
	s10 =	sld [smem:$0x3FB9];
	_ =	sdelay $0x3  }
0x37: {  	[smem:$0x3FB9] =	sst s10  }
0x38: {  	s10 =	sld [smem:$0x3FBA]  }
0x39: {  	_ = 	snop;
	(pc) =	sbr.ind lr, $3  }
0x3a: {  	_ = 	snop  }
0x3b: {  	_ = 	snop  }
0x3c: {  	p2 =	seq.s32 s10, $0x1;
	s10 =	sld [smem:$0x3FB9]  }
0x3d: {  	_ =	shalt  }
0x3e: {  	_ =	shalt  }
0x3f: {  	_ =	shalt  }
0x40: {  	_ =	shalt  }
0x41: {  	_ =	shalt  }
0x42: {  	_ =	shalt  }
0x43: {  	_ =	shalt  }
0x44: {  	_ =	shalt  }
0x45: {  	_ =	shalt  }
0x46: {  	_ =	shalt  }
0x47: {  	_ =	shalt  }
0x48: {  	_ =	shalt  }
0x49: {  	_ =	shalt  }
0x4a: {  	_ =	shalt  }
0x4b: {  	_ =	shalt  }
0x4c: {  	_ =	shalt  }
0x4d: {  	_ =	shalt  }
0x4e: {  	_ =	shalt  }
0x4f: {  	_ =	shalt  }
0x50: {  	_ =	shalt  }
0x51: {  	_ =	shalt  }
0x52: {  	_ =	shalt  }
0x53: {  	_ =	shalt  }
0x54: {  	_ =	shalt  }
0x55: {  	_ =	shalt  }
0x56: {  	_ =	shalt  }
0x57: {  	_ =	shalt  }
0x58: {  	_ =	shalt  }
0x59: {  	_ =	shalt  }
0x5a: {  	_ =	shalt  }
0x5b: {  	_ =	shalt  }
0x5c: {  	_ =	shalt  }
0x5d: {  	_ =	shalt  }
0x5e: {  	_ =	shalt  }
0x5f: {  	_ =	shalt  }
0x60: {  	_ =	shalt  }
0x61: {  	_ =	shalt  }
0x62: {  	_ =	shalt  }
0x63: {  	_ =	shalt  }
0x64: {  	_ =	shalt  }
0x65: {  	_ =	shalt  }
0x66: {  	_ =	shalt  }
0x67: {  	_ =	shalt  }
0x68: {  	_ =	shalt  }
0x69: {  	_ =	shalt  }
0x6a: {  	_ =	shalt  }
0x6b: {  	_ =	shalt  }
0x6c: {  	_ =	shalt  }
0x6d: {  	_ =	shalt  }
0x6e: {  	_ =	shalt  }
0x6f: {  	_ =	shalt  }
0x70: {  	_ =	shalt  }
0x71: {  	_ =	shalt  }
0x72: {  	_ =	shalt  }
0x73: {  	_ =	shalt  }
0x74: {  	_ =	shalt  }
0x75: {  	_ =	shalt  }
0x76: {  	_ =	shalt  }
0x77: {  	_ =	shalt  }
0x78: {  	_ =	shalt  }
0x79: {  	_ =	shalt  }
0x7a: {  	_ =	shalt  }
0x7b: {  	_ =	shalt  }
0x7c: {  	_ =	shalt  }
0x7d: {  	_ =	shalt  }
0x7e: {  	_ =	shalt  }
0x7f: {  	_ =	shalt  }
0x80: {  	_ =	shalt  }
0x81: {  	_ =	shalt  }
0x82: {  	_ =	shalt  }
0x83: {  	_ =	shalt  }
0x84: {  	_ =	shalt  }
0x85: {  	_ =	shalt  }
0x86: {  	_ =	shalt  }
0x87: {  	_ =	shalt  }
.Lfunc_end0:
.L_simem_size_0:
called_computation_lowered:
.L_overlay_start_0:
0x88: {  	s2 =	sld [smem:$0x3FD9]  }
0x89: {  	s3 =	sld [smem:$0x3FFE];
	_ =	sdelay $0x1  }
0x8a: {  	s1 =	srdreg.scid  }
0x8b: {  	s0 =	sand.u32 $0x1, s1  }
0x8c: {  	s17 =	sshll.u32 s0, $0xA;
	s2 =	sadd.s32 s3, s2  }
0x8d: {  	s2 =	sadd.s32 s2, s17  }
0x8e: {  	[smem:$0x3FC5] =	sst s2  }
0x8f: {  	_ = 	snop  }
0x90: {  	s2 =	sld [smem:$0x3FC7];
	(tm) =	ssettm $0x1  }
0x91: {  	s18 =	sld [smem:$0x3FFB];
	_ =	sdelay $0x3  }
0x92: {  	_ =	strace s18  }
0x93: {  	s3 =	sld [smem:$0x3FFC];
	_ =	sdelay $0x3  }
0x94: {  	_ =	strace s3  }
0x95: {  	s3 =	sld [smem:$0x3FFD];
	_ =	sdelay $0x3  }
0x96: {  	_ =	strace s3  }
0x97: {  	_ =	strace $0x8FFFFFFF  }
0x98: {  	s19 =	sld [smem:$0x3FDB];
	_ =	sdelay $0x1  }
0x99: {  	s4 =	simm.s32 $_scs_section_size  }
0x9a: {  	s5 =	simm.s32 $_size__tile_overlayer_lowered;
	s6 =	simm.s32 $_tile_overlayer_lowered  }
0x9b: {  	s22 =	simm.s32 $0x1BFF;
	s21 =	sshll.u32 s6, $0x1;
	s3 =	sadd.s32 s4, s19  }
0x9c: {  	s7 =	simm.s32 $0x0;
	s20 =	sshll.u32 s5, $0x1;
	s5 =	sadd.s32 s21, s3  }
0x9d: {  	[timem:s7], [sflag:s22] =	dma.local [hbm:s5], s20  }
0x9e: {  	_ =	swait.ge [sflag:s22], s20  }
0x9f: {  	s4 =	ssub.s32 $0x0, s20;
	[sflag:s22] =	ssyncset.done $0x0  }
0xa0: {  	[sflag:s22] =	ssyncadd.s32 s4;
	_ =	sdelay $0x1  }
0xa1: {  	s23 =	simm.s32 $0x1B8B  }
0xa2: {  	_ =	swait.ge [sflag:s23], $0x1  }
0xa3: {  	[sflag:s23] =	ssyncset.done $0x0  }
0xa4: {  	s25 =	simm.s32 $0x1B8E;
	s24 =	sld [smem:$0x3FFE];
	[sflag:s23] =	ssyncadd.s32 $0xFFFFFFFF  }
0xa5: {  	s26 =	simm.s32 $execute0_lowered;
	[smem:$0x3FD2] =	sst s25  }
0xa6: {  	s5 =	sshll.u32 s26, $0x1;
	_ =	strace $0x80000046;
	[dreg:$0x1] =	wrdreg $0xFFFFFFFF  }
0xa7: {  	s28 =	simm.s32 $_size_execute0_lowered;
	s3 =	sadd.s32 s3, s5;
	[dreg:$0x0] =	wrdreg $0x0  }
0xa8: {  	s5 =	sshll.u32 s28, $0x1;
	[dreg:$0x2] =	wrdreg s3  }
0xa9: {  	[dreg:$0x3] =	wrdreg s5  }
0xaa: {  	[dreg:$0x4] =	wrdreg $0xC0  }
0xab: {  	_ =	task [dreg:s7], $0x5FFFF  }
0xac: {  	[dreg:$0x1] =	wrdreg $0xFFFFFFFF  }
0xad: {  	[dreg:$0x0] =	wrdreg $0x60  }
0xae: {  	[dreg:$0x2] =	wrdreg s24  }
0xaf: {  	[dreg:$0x3] =	wrdreg s2  }
0xb0: {  	[dreg:$0x4] =	wrdreg $0x0  }
0xb1: {  	[dreg:$0x5] =	wrdreg $0x9  }
0xb2: {  	_ =	task.clear_ibuf [dreg:s7], $0x6FFFF;
	_ =	strace $0x90000046  }
0xb3: {  	s29 =	simm.s32 $0x9;
	_ =	strace $0x80000048  }
0xb4: {  	_ =	swait.ge [sflag:s29], $0x1  }
0xb5: {  	[sflag:s29] =	ssyncadd.s32 $0xFFFFFFFF  }
0xb6: {  	_ =	strace $0x90000048  }
0xb7: {  	_ =	sfence  }
0xb8: {  	s30 =	sld [smem:$0x0];
	_ =	sdelay $0x2  }
0xb9: {  	s31 =	sshll.u32 s1, $0xD;
	s1 =	sshrl.u32 s1, $0x2  }
0xba: {  	s3 =	sand.u32 $0x4000, s31;
	s1 =	sadd.s32 s1, s30  }
0xbb: {  	s0 =	sor.u32 s3, s0;
	s1 =	sshll.u32 s1, $0x11  }
0xbc: {  	s0 =	sor.u32 s1, s0  }
0xbd: {  	s0 =	sadd.s32 $0x8F2B, s0  }
0xbe: {  	[sflag:s0] =	ssyncadd.remote.s32 $0x1  }
0xbf: {  	_ =	sfence.sel $0xFFFF  }
0xc0: {  	[dreg:$0x0] =	wrdreg $0xFFFFFFFF;
	(pc) =	sbr.abs _section_cstart, $3  }
0xc1: {  	[dreg:$0x1] =	wrdreg $0xFFFFFFFF  }
0xc2: {  	_ =	task.clear_ibuf [dreg:s7], $0x2FFFF;
	_ =	strace $0x9FFFFFFF  }
0xc3: {  	(tm) =	ssettm $0x7FFFFFFF  }
tec
execute0_lowered:
.L_overlay_start_1:
0x0: {  	(tag) =	ssettag $0x1  }
0x1: {  	s4 =	rddreg [dreg:$0x0]  }
0x2: {  	s8 =	rddreg [dreg:$0x1]  }
0x3: {  	s2 =	rddreg [dreg:$0x2];
	s3 =	srdreg.scid  }
0x4: {  	s0 =	rddreg [dreg:$0x3];
	s1 =	stileid.u32  }
0x5: {  	s13 =	simm.s32 $0x1880;
	s14 =	simm.s32 $0x4A80;
	s15 =	simm.s32 $0x1  }
0x6: {  	s16 =	simm.s32 $0x7C80;
	s17 =	simm.s32 $0xAE80;
	s18 =	simm.s32 $0x3200  }
0x7: {  	s19 =	simm.s32 $0x2;
	s20 =	simm.s32 $0x3;
	s21 =	simm.s32 $0x4  }
0x8: {  	s22 =	simm.s32 $0x80;
	s23 =	simm.s32 $0x10;
	s5 =	sand.u32 $0x1, s3  }
0x9: {  	s3 =	simm.s32 $0x0;
	s7 =	sshrl.u32 s1, $0x3;
	s28 =	smul.u32 $0x6200, s1  }
0xa: {  	s9 =	sadd.s32 $0x2000, s4;
	s10 =	sshll.u32 s1, $0x7;
	s6 =	smul.u32 $0x18800, s5  }
0xb: {  	s25 =	sshll.u32 s1, $0x1;
	[smem:$0x7FF] =	sst s3;
	s7 =	smul.u32 $0xC400, s7  }
0xc: {  	s24 =	sand.u32 $0x380, s10;
	s26 =	sor.u32 s5, s25;
	s5 =	ssub.s32 $0x2, s5  }
0xd: {  	_ =	strace $0x80000047;
	s29 =	sshrl.u32 s5, $0x1;
	s6 =	sadd.s32 s6, s7  }
0xe: {  	s7 =	smul.u32 $0x6400, s26;
	s31 =	ssub.s32 s5, s29;
	s6 =	sor.u32 s24, s6  }
0xf: {  	s30 =	sshrl.u32 s28, $0x2;
	s10 =	smax.u32 s31, $0x1;
	s6 =	sshrl.u32 s6, $0x3  }
0x10: {  	s24 =	simm.s32 $0x0;
	s7 =	sshrl.u32 s7, $0x3;
	s11 =	sadd.s32 s6, s4  }
0x11: {  	s4 =	sadd.s32 s30, s2;
	s5 =	sadd.s32 s9, s7;
	s12 =	sadd.s32 $0x640, s7  }
0x12: {  	s6 =	sadd.s32 s8, s7;
	s7 =	sadd.s32 s9, s12;
	s8 =	sadd.s32 s8, s12  }
0x13: {  	v0 =	vimm.f32 $0.0e+00;
	s9 =	sadd.s32 $0x1B000, s11;
	s11 =	simm.s32 $0xE080;
	s12 =	simm.s32 $0x5  }
.LBB2_1:
0x14: {  	s25 =	simm.s32 $0xE0C0  }
0x15: {  	[tilespmem:s25+$0xFFFFFFC0] =	vst v0  }
0x16: {  	[tilespmem:s25+$0x30] =	vst v0  }
0x17: {  	[tilespmem:s25+$0x20] =	vst v0  }
0x18: {  	[tilespmem:s25+$0x10] =	vst v0  }
0x19: {  	[tilespmem:s25+$0x0] =	vst v0  }
0x1a: {  	[tilespmem:s25+$0xFFFFFFF0] =	vst v0  }
0x1b: {  	s26 =	simm.s32 $0x0;
	[tilespmem:s25+$0xFFFFFFE0] =	vst v0  }
.LBB2_2:
0x1c: {  	s26 =	sadd.s32 $0x8, s26;
	[tilespmem:s25+$0xFFFFFFD0] =	vst v0;
	s25 =	sadd.s32 $0x80, s25  }
0x1d: {  	[tilespmem:s25+$0xFFFFFFC0] =	vst v0;
	p0 =	slt.u32 s26, $0x180  }
0x1e: {  	[tilespmem:s25+$0x30] =	vst v0  }
.Ltmp0:
0x1f: {  	[tilespmem:s25+$0x20] =	vst v0;
	(pc) =	sbr.rel @p0 .LBB2_2-.Ltmp0, $4  }
0x20: {  	[tilespmem:s25+$0x10] =	vst v0  }
0x21: {  	[tilespmem:s25+$0x0] =	vst v0  }
0x22: {  	[tilespmem:s25+$0xFFFFFFF0] =	vst v0  }
0x23: {  	[tilespmem:s25+$0xFFFFFFE0] =	vst v0  }
0x24: {  	[tilespmem:s25+$0xFFFFFFD0] =	vst v0  }
0x25: {  	[spmem:s4] =	stream.linear.scatter [tilespmem:s11], [sflag:$0x5], $0x1880, $0x38;
	[tilespmem:$0xF900] =	vst v63  }
0x26: {  	_ =	swait.ge [sflag:s12], $0x1880  }
0x27: {  	[sflag:s12] =	ssyncset.done $0x0  }
0x28: {  	[sflag:s12] =	ssyncadd.s32 $0xFFFFE780  }
0x29: {  	[bflag:$0x0] =	sbarrier.arrive $0xFFFF  }
0x2a: {  	[tilespmem:s13], [sflag:$0x1] =	stream.linear.gather [hbm4b:s5+s3], $0x3200, $0x38;
	[tilespmem:$0xF900] =	vst v63  }
0x2b: {  	_ = 	snop  }
0x2c: {  	[tilespmem:s14], [sflag:$0x1] =	stream.linear.gather [hbm4b:s6+s3], $0x3200, $0x38;
	[tilespmem:$0xF900] =	vst v63  }
0x2d: {  	_ =	swait.ge [sflag:s15], $0x3200  }
0x2e: {  	[sflag:s15] =	ssyncset.done $0x0  }
0x2f: {  	[sflag:s15] =	ssyncadd.s32 $0xFFFFCE00  }
0x30: {  	_ =	swait.ge [sflag:s15], $0x3200  }
0x31: {  	[sflag:s15] =	ssyncset.done $0x0  }
0x32: {  	[sflag:s15] =	ssyncadd.s32 $0xFFFFCE00  }
0x33: {  	[tilespmem:s16], [sflag:$0x2] =	stream.linear.gather [hbm4b:s7+s3], $0x3200, $0x38;
	[tilespmem:$0xF900] =	vst v63  }
0x34: {  	_ = 	snop  }
0x35: {  	[tilespmem:s17], [sflag:$0x2] =	stream.linear.gather [hbm4b:s8+s3], $0x3200, $0x38;
	[tilespmem:$0xF900] =	vst v63  }
0x36: {  	_ = 	snop  }
0x37: {  	[spmem:s2] =	stream.indirect.scatter.add.f32 [tilespmem:s13], [sflag:$0x3], $0x1, s14, s18, $0xb8;
	[tilespmem:$0xF900] =	vst v63  }
0x38: {  	_ =	swait.ge [sflag:s19], $0x3200  }
0x39: {  	[sflag:s19] =	ssyncset.done $0x0  }
0x3a: {  	[sflag:s19] =	ssyncadd.s32 $0xFFFFCE00  }
0x3b: {  	_ =	swait.ge [sflag:s19], $0x3200  }
0x3c: {  	[sflag:s19] =	ssyncset.done $0x0  }
0x3d: {  	[sflag:s19] =	ssyncadd.s32 $0xFFFFCE00  }
0x3e: {  	[spmem:s2] =	stream.indirect.scatter.add.f32 [tilespmem:s16], [sflag:$0x4], $0x1, s17, s18, $0xb8;
	[tilespmem:$0xF900] =	vst v63  }
0x3f: {  	_ =	swait.ge [sflag:s20], $0x3200  }
0x40: {  	[sflag:s20] =	ssyncset.done $0x0  }
0x41: {  	[sflag:s20] =	ssyncadd.s32 $0xFFFFCE00  }
0x42: {  	_ =	swait.ge [sflag:s21], $0x3200  }
0x43: {  	s31 =	sshll.u32 s1, $0x6;
	s24 =	sadd.s32 $0x1, s24;
	[sflag:s21] =	ssyncset.done $0x0  }
0x44: {  	s26 =	sshrl.u32 s4, $0x3;
	p0 =	sne.s32 s24, s10;
	[sflag:s21] =	ssyncadd.s32 $0xFFFFCE00  }
.Ltmp1:
0x45: {  	s25 =	sor.u32 $0x1C05, s31;
	[bflag:$0x0] =	sbarrier.arrive $0xFFFF;
	(pc) =	sbr.rel @p0 .LBB2_1-.Ltmp1, $4  }
0x46: {  	[hbm:s9@s22], [sflag:s25] =	dma.strided [spmem:s26@s23], $0x310, s15, $0x10   }
0x47: {  	_ =	swait.ge [sflag:s12], $0x310  }
0x48: {  	[sflag:s12] =	ssyncset.done $0x0  }
0x49: {  	[sflag:s12] =	ssyncadd.s32 $0xFFFFFCF0  }
0x4a: {  	_ =	sfence.sel $0x180000  }
0x4b: {  	[bflag:$0x0] =	sbarrier.arrive $0xFFFF  }
0x4c: {  	p0 =	sne.s32 s1, $0x0;
	_ =	strace $0x90000047  }
0x4d: {  	s0 =	sadd.s32 @!p0 $0x100000, s0;
	[bflag:$0x2] =	sbarrier.arrive $0xFFFF  }
0x4e: {  	[sflag:s0] =	ssyncadd.tile.s32 @!p0 $0x1;
	_ =	shalt  }
.Lfunc_end2:
_tile_overlayer_lowered:
.L_overlay_start_2:
0x4f: {  	(tag) =	ssettag $0x2  }
0x50: {  	s0 =	rddreg [dreg:$0x0];
	s2 =	stileid.u32  }
0x51: {  	s1 =	rddreg [dreg:$0x1];
	p0 =	sne.s32 s2, $0x0  }
0x52: {  	s3 =	rddreg [dreg:$0x2];
	[bflag:$0x3] =	sbarrier.arrive $0xFFFF;
	s2 =	simm.s32 @!p0 $0x1C05  }
0x53: {  	[timem:s3], [sflag:s2] =	dma.local @!p0 [hbm:s0], s1  }
0x54: {  	s0 =	simm.s32 @!p0 $0x5  }
0x55: {  	_ =	swait.ge @!p0 [sflag:s0], s1  }
0x56: {  	s1 =	ssub.s32 @!p0 $0x0, s1;
	[sflag:s0] =	ssyncset.done @!p0 $0x0  }
0x57: {  	[sflag:s0] =	ssyncadd.s32 @!p0 s1  }
0x58: {  	[bflag:$0x3] =	sbarrier.arrive $0xFFFF  }
0x59: {  	_ =	shalt  }

// kernel: kernel.14.cloned.1.call-start
scs
__scs_entry_jumppad:
0x0: {  	(pc) =	sbr.rel $0x88, $3  }
0x1: {  	(tag) =	ssettag $0x0;
	lr =	simm.s32 $0x1  }
0x2: {  	[smem:$0x3F9E] =	sst lr;
	_ =	strace $0xD0000000  }
0x3: {  	_ = 	snop  }
0x4: {  	_ = 	snop  }
0x5: {  	_ = 	snop  }
0x6: {  	_ = 	snop  }
0x7: {  	_ = 	snop  }
__scs_overlays_trampoline_lowered:
0x8: {  	[smem:$0x3FAD] =	sst s0  }
0x9: {  	[smem:$0x3FAE] =	sst s1  }
0xa: {  	[smem:$0x3FAF] =	sst s2  }
0xb: {  	[smem:$0x3FB0] =	sst s3  }
0xc: {  	[smem:$0x3FB1] =	sst s4  }
0xd: {  	[smem:$0x3FB2] =	sst s5  }
0xe: {  	[smem:$0x3FB3] =	sst s6  }
0xf: {  	[smem:$0x3FB4] =	sst s7  }
0x10: {  	[smem:$0x3FB5] =	sst s8  }
0x11: {  	[smem:$0x3FB6] =	sst s9;
	s0 =	simm.s32 @!p0 $0x0  }
0x12: {  	s1 =	sld [smem:$0x3F9C];
	s0 =	simm.s32 @p0 $0x1  }
0x13: {  	[smem:$0x3FB7] =	sst s0;
	s0 =	simm.s32 @!p1 $0x0  }
0x14: {  	s2 =	sld [smem:$0x3F9B];
	s0 =	simm.s32 @p1 $0x1  }
0x15: {  	[smem:$0x3FB8] =	sst s0;
	s0 =	simm.s32 @!p2 $0x0  }
0x16: {  	s3 =	sld [smem:$0x3FDB];
	s0 =	simm.s32 @p2 $0x1  }
0x17: {  	s4 =	simm.s32 $0x1BF5;
	[smem:$0x3FBA] =	sst s0  }
0x18: {  	s0 =	sld [smem:$0x3F9D];
	_ =	swait.ge [sflag:s4], $0x0  }
0x19: {  	s7 =	sld [smem:$0x3F9E]  }
0x1a: {  	s8 =	sadd.s32 $0xFFFFE003, lr  }
0x1b: {  	s9 =	sadd.s32 $0xFFFFFEF7, lr;
	s5 =	simm.s32 $0xFFFFFFFF;
	p2 =	slt.u32 s8, $0xFFFFF086  }
0x1c: {  	p1 =	slt.u32 s9, $0xF7A;
	s5 =	simm.s32 @!p2 $0x0  }
0x1d: {  	s5 =	simm.s32 @p1 $0x1;
	p0 =	seq.s32 s7, s2  }
0x1e: {  	s7 =	smul.u32 @!p0 $0xF7A, s2;
	p2 =	seq.s32 @!p0 s5, $0x0  }
0x1f: {  	s9 =	smul.u32 $0xF7A, s1;
	s8 =	simm.s32 @!p0 $0x1BF5;
	p2 =	por !p2, p0  }
0x20: {  	[sflag:s8] =	ssyncset.s32 @!p0 $0xFFFFF086;
	s6 =	sadd.s32 @!p0 s3, s7;
	s7 =	simm.s32 @!p0 $0x108  }
0x21: {  	s3 =	sadd.s32 s3, s9;
	s6 =	sadd.s32 @!p0 $0x88, s6;
	s7 =	simm.s32 @p2 $0x1082  }
0x22: {  	[simem:s7], [sflag:s8] =	dma.local @!p0 [hbm:s6], $0xF7A  }
0x23: {  	s9 =	sor.u32 $0xD0000000, s2;
	s6 =	simm.s32 $0x108;
	_ =	swait.ge @!p0 [sflag:s8], $0x0  }
0x24: {  	s3 =	sadd.s32 $0x88, s3;
	s6 =	simm.s32 @!p1 $0x1082;
	[sflag:s4] =	ssyncset.s32 $0xFFFFF086  }
0x25: {  	[simem:s6], [sflag:s4] =	dma.local [hbm:s3], $0xF7A  }
0x26: {  	[smem:$0x3F9E] =	sst s1;
	(tag) =	ssettag s2;
	_ =	strace s9  }
0x27: {  	s1 =	sld [smem:$0x3FAE]  }
0x28: {  	s2 =	sld [smem:$0x3FAF]  }
0x29: {  	s4 =	sld [smem:$0x3FB1]  }
0x2a: {  	p0 =	seq.s32 s5, $0x0;
	s5 =	sld [smem:$0x3FB2]  }
0x2b: {  	s6 =	sld [smem:$0x3FB3]  }
0x2c: {  	s7 =	sld [smem:$0x3FB4]  }
0x2d: {  	s3 =	simm.s32 $0x108;
	s8 =	sld [smem:$0x3FB5]  }
0x2e: {  	s3 =	simm.s32 @!p0 $0x1082;
	s9 =	sld [smem:$0x3FB6]  }
0x2f: {  	lr =	sadd.s32 s0, s3;
	s0 =	sld [smem:$0x3FAD]  }
0x30: {  	s3 =	sld [smem:$0x3FB0]  }
0x31: {  	[smem:$0x3FB9] =	sst s10  }
0x32: {  	s10 =	sld [smem:$0x3FB7];
	_ =	sdelay $0x3  }
0x33: {  	p0 =	seq.s32 s10, $0x1;
	s10 =	sld [smem:$0x3FB9];
	_ =	sdelay $0x3  }
0x34: {  	[smem:$0x3FB9] =	sst s10  }
0x35: {  	s10 =	sld [smem:$0x3FB8];
	_ =	sdelay $0x3  }
0x36: {  	p1 =	seq.s32 s10, $0x1;
	s10 =	sld [smem:$0x3FB9];
	_ =	sdelay $0x3  }
0x37: {  	[smem:$0x3FB9] =	sst s10  }
0x38: {  	s10 =	sld [smem:$0x3FBA]  }
0x39: {  	_ = 	snop;
	(pc) =	sbr.ind lr, $3  }
0x3a: {  	_ = 	snop  }
0x3b: {  	_ = 	snop  }
0x3c: {  	p2 =	seq.s32 s10, $0x1;
	s10 =	sld [smem:$0x3FB9]  }
0x3d: {  	_ =	shalt  }
0x3e: {  	_ =	shalt  }
0x3f: {  	_ =	shalt  }
0x40: {  	_ =	shalt  }
0x41: {  	_ =	shalt  }
0x42: {  	_ =	shalt  }
0x43: {  	_ =	shalt  }
0x44: {  	_ =	shalt  }
0x45: {  	_ =	shalt  }
0x46: {  	_ =	shalt  }
0x47: {  	_ =	shalt  }
0x48: {  	_ =	shalt  }
0x49: {  	_ =	shalt  }
0x4a: {  	_ =	shalt  }
0x4b: {  	_ =	shalt  }
0x4c: {  	_ =	shalt  }
0x4d: {  	_ =	shalt  }
0x4e: {  	_ =	shalt  }
0x4f: {  	_ =	shalt  }
0x50: {  	_ =	shalt  }
0x51: {  	_ =	shalt  }
0x52: {  	_ =	shalt  }
0x53: {  	_ =	shalt  }
0x54: {  	_ =	shalt  }
0x55: {  	_ =	shalt  }
0x56: {  	_ =	shalt  }
0x57: {  	_ =	shalt  }
0x58: {  	_ =	shalt  }
0x59: {  	_ =	shalt  }
0x5a: {  	_ =	shalt  }
0x5b: {  	_ =	shalt  }
0x5c: {  	_ =	shalt  }
0x5d: {  	_ =	shalt  }
0x5e: {  	_ =	shalt  }
0x5f: {  	_ =	shalt  }
0x60: {  	_ =	shalt  }
0x61: {  	_ =	shalt  }
0x62: {  	_ =	shalt  }
0x63: {  	_ =	shalt  }
0x64: {  	_ =	shalt  }
0x65: {  	_ =	shalt  }
0x66: {  	_ =	shalt  }
0x67: {  	_ =	shalt  }
0x68: {  	_ =	shalt  }
0x69: {  	_ =	shalt  }
0x6a: {  	_ =	shalt  }
0x6b: {  	_ =	shalt  }
0x6c: {  	_ =	shalt  }
0x6d: {  	_ =	shalt  }
0x6e: {  	_ =	shalt  }
0x6f: {  	_ =	shalt  }
0x70: {  	_ =	shalt  }
0x71: {  	_ =	shalt  }
0x72: {  	_ =	shalt  }
0x73: {  	_ =	shalt  }
0x74: {  	_ =	shalt  }
0x75: {  	_ =	shalt  }
0x76: {  	_ =	shalt  }
0x77: {  	_ =	shalt  }
0x78: {  	_ =	shalt  }
0x79: {  	_ =	shalt  }
0x7a: {  	_ =	shalt  }
0x7b: {  	_ =	shalt  }
0x7c: {  	_ =	shalt  }
0x7d: {  	_ =	shalt  }
0x7e: {  	_ =	shalt  }
0x7f: {  	_ =	shalt  }
0x80: {  	_ =	shalt  }
0x81: {  	_ =	shalt  }
0x82: {  	_ =	shalt  }
0x83: {  	_ =	shalt  }
0x84: {  	_ =	shalt  }
0x85: {  	_ =	shalt  }
0x86: {  	_ =	shalt  }
0x87: {  	_ =	shalt  }
.Lfunc_end0:
.L_simem_size_0:
called_computation.1_lowered:
.L_overlay_start_0:
0x88: {  	s2 =	sld [smem:$0x3FD9]  }
0x89: {  	s3 =	sld [smem:$0x3FFE];
	_ =	sdelay $0x1  }
0x8a: {  	s1 =	srdreg.scid  }
0x8b: {  	s0 =	sand.u32 $0x1, s1  }
0x8c: {  	s17 =	sshll.u32 s0, $0xA;
	s2 =	sadd.s32 s3, s2  }
0x8d: {  	s2 =	sadd.s32 s2, s17  }
0x8e: {  	[smem:$0x3FC5] =	sst s2  }
0x8f: {  	_ = 	snop  }
0x90: {  	s18 =	sld [smem:$0x3FC7];
	(tm) =	ssettm $0x1  }
0x91: {  	s19 =	sld [smem:$0x3FFB];
	_ =	sdelay $0x3  }
0x92: {  	_ =	strace s19  }
0x93: {  	s2 =	sld [smem:$0x3FFC];
	_ =	sdelay $0x3  }
0x94: {  	_ =	strace s2  }
0x95: {  	s2 =	sld [smem:$0x3FFD];
	_ =	sdelay $0x3  }
0x96: {  	_ =	strace s2  }
0x97: {  	_ =	strace $0x8FFFFFFF  }
0x98: {  	s20 =	sld [smem:$0x3FDB];
	_ =	sdelay $0x1  }
0x99: {  	s4 =	simm.s32 $_scs_section_size  }
0x9a: {  	s5 =	simm.s32 $_size__tile_overlayer_lowered;
	s6 =	simm.s32 $_tile_overlayer_lowered  }
0x9b: {  	s7 =	simm.s32 $0x1BFF;
	s21 =	sshll.u32 s6, $0x1;
	s4 =	sadd.s32 s4, s20  }
0x9c: {  	s22 =	simm.s32 $0x0;
	s5 =	sshll.u32 s5, $0x1;
	s6 =	sadd.s32 s21, s4  }
0x9d: {  	[timem:s22], [sflag:s7] =	dma.local [hbm:s6], s5  }
0x9e: {  	_ =	swait.ge [sflag:s7], s5  }
0x9f: {  	s5 =	ssub.s32 $0x0, s5;
	[sflag:s7] =	ssyncset.done $0x0  }
0xa0: {  	[sflag:s7] =	ssyncadd.s32 s5;
	_ =	sdelay $0x1  }
0xa1: {  	s23 =	simm.s32 $0x1B8B  }
0xa2: {  	_ =	swait.ge [sflag:s23], $0x1  }
0xa3: {  	[sflag:s23] =	ssyncset.done $0x0  }
0xa4: {  	[sflag:s23] =	ssyncadd.s32 $0xFFFFFFFF  }
0xa5: {  	s5 =	sld [smem:$0x0]  }
0xa6: {  	s6 =	sand.u32 $0xFFFFFFFE, s1  }
0xa7: {  	p0 =	sne.s32 s1, s6  }
0xa8: {  	s6 =	sshll.u32 @p0 s6, $0xE  }
0xa9: {  	s6 =	sadd.s32 @p0 $0x11B8D, s6;
	s7 =	sshll.u32 @p0 s5, $0x11  }
0xaa: {  	s6 =	sor.u32 @p0 s7, s6  }
0xab: {  	[sflag:s6] =	ssyncadd.remote.s32 @p0 $0x1;
	_ =	sdelay $0x1  }
0xac: {  	s6 =	simm.s32 @p0 $0x1B8D  }
0xad: {  	_ =	swait.eq @p0 [sflag:s6], $0x1  }
0xae: {  	[sflag:s6] =	ssyncadd.s32 @p0 $0xFFFFFFFF  }
0xaf: {  	s7 =	sshll.u32 @!p0 s1, $0xE  }
0xb0: {  	s7 =	sor.u32 @!p0 $0x4000, s7;
	s6 =	simm.s32 @!p0 $0x1B8D  }
0xb1: {  	s5 =	sshll.u32 @!p0 s5, $0x11;
	s7 =	sadd.s32 @!p0 $0x11B8D, s7;
	_ =	swait.eq @!p0 [sflag:s6], $0x1  }
0xb2: {  	s5 =	sor.u32 @!p0 s5, s7;
	[sflag:s6] =	ssyncadd.s32 @!p0 $0xFFFFFFFF  }
0xb3: {  	s25 =	simm.s32 $0x1B8E;
	s24 =	sld [smem:$0x3FFE];
	[sflag:s5] =	ssyncadd.remote.s32 @!p0 $0x1  }
0xb4: {  	s26 =	simm.s32 $execute0_lowered;
	[smem:$0x3FD2] =	sst s25  }
0xb5: {  	s6 =	sshll.u32 s26, $0x1;
	_ =	strace $0x80000049;
	[dreg:$0x1] =	wrdreg $0xFFFFFFFF  }
0xb6: {  	s28 =	simm.s32 $_size_execute0_lowered;
	s4 =	sadd.s32 s4, s6;
	[dreg:$0x0] =	wrdreg $0x0  }
0xb7: {  	s6 =	sshll.u32 s28, $0x1;
	[dreg:$0x2] =	wrdreg s4  }
0xb8: {  	[dreg:$0x3] =	wrdreg s6  }
0xb9: {  	[dreg:$0x4] =	wrdreg $0xC0  }
0xba: {  	_ =	task [dreg:s22], $0x5FFFF  }
0xbb: {  	[dreg:$0x1] =	wrdreg $0xFFFFFFFF  }
0xbc: {  	[dreg:$0x0] =	wrdreg $0x60  }
0xbd: {  	[dreg:$0x2] =	wrdreg s24  }
0xbe: {  	[dreg:$0x3] =	wrdreg s18  }
0xbf: {  	[dreg:$0x4] =	wrdreg $0x0  }
0xc0: {  	[dreg:$0x5] =	wrdreg $0xA  }
0xc1: {  	_ =	task.clear_ibuf [dreg:s22], $0x6FFFF;
	_ =	strace $0x90000049  }
0xc2: {  	s29 =	simm.s32 $0xA;
	_ =	strace $0x8000004B  }
0xc3: {  	_ =	swait.ge [sflag:s29], $0x1  }
0xc4: {  	[sflag:s29] =	ssyncadd.s32 $0xFFFFFFFF  }
0xc5: {  	_ =	strace $0x9000004B  }
0xc6: {  	_ =	sfence  }
0xc7: {  	s30 =	sld [smem:$0x0];
	_ =	sdelay $0x2  }
0xc8: {  	s31 =	sshll.u32 s1, $0xD;
	s1 =	sshrl.u32 s1, $0x2  }
0xc9: {  	s4 =	sand.u32 $0x4000, s31;
	s1 =	sadd.s32 s1, s30  }
0xca: {  	s0 =	sor.u32 s4, s0;
	s1 =	sshll.u32 s1, $0x11  }
0xcb: {  	s0 =	sor.u32 s1, s0  }
0xcc: {  	s0 =	sadd.s32 $0x8F2B, s0  }
0xcd: {  	[sflag:s0] =	ssyncadd.remote.s32 $0x1  }
0xce: {  	_ =	sfence.sel $0xFFFF  }
0xcf: {  	[dreg:$0x0] =	wrdreg $0xFFFFFFFF;
	(pc) =	sbr.abs _section_cstart, $3  }
0xd0: {  	[dreg:$0x1] =	wrdreg $0xFFFFFFFF  }
0xd1: {  	_ =	task.clear_ibuf [dreg:s22], $0x2FFFF;
	_ =	strace $0x9FFFFFFF  }
0xd2: {  	(tm) =	ssettm $0x7FFFFFFF  }
0xd3: {  	_ =	shalt  }
tec
execute0_lowered:
.L_overlay_start_1:
0x0: {  	(tag) =	ssettag $0x1  }
0x1: {  	s4 =	rddreg [dreg:$0x0]  }
0x2: {  	s1 =	srdreg.scid;
	s6 =	rddreg [dreg:$0x1]  }
0x3: {  	s0 =	stileid.u32;
	s2 =	rddreg [dreg:$0x2]  }
0x4: {  	s14 =	simm.s32 $0x5;
	s15 =	simm.s32 $0x1880;
	s16 =	simm.s32 $0x6380  }
0x5: {  	s17 =	simm.s32 $0x1;
	s18 =	simm.s32 $0xAE80;
	s19 =	simm.s32 $0xF980  }
0x6: {  	s20 =	simm.s32 $0x4B00;
	s21 =	simm.s32 $0x2;
	s22 =	simm.s32 $0x3  }
0x7: {  	s23 =	simm.s32 $0x4;
	s24 =	simm.s32 $0x80;
	s5 =	sand.u32 $0x1, s1  }
0x8: {  	s25 =	sshll.u32 s0, $0x1;
	s1 =	rddreg [dreg:$0x3];
	s28 =	smul.u32 $0x6200, s0  }
0x9: {  	s9 =	sshrl.u32 s0, $0x3;
	s10 =	sshll.u32 s0, $0x7;
	s8 =	smul.u32 $0x18800, s5  }
0xa: {  	s3 =	sor.u32 s5, s25;
	s9 =	smul.u32 $0xC400, s9;
	s26 =	sand.u32 $0x380, s10  }
0xb: {  	s5 =	ssub.s32 $0x2, s5;
	s25 =	simm.s32 $0x10;
	s7 =	smul.u32 $0xE100, s3  }
0xc: {  	s3 =	simm.s32 $0x0;
	s11 =	sshrl.u32 s5, $0x1;
	s30 =	sshrl.u32 s28, $0x2  }
0xd: {  	[smem:$0x7FF] =	sst s3;
	s8 =	sadd.s32 s8, s9;
	s13 =	ssub.s32 s5, s11  }
0xe: {  	_ =	strace $0x8000004A;
	s7 =	sshrl.u32 s7, $0x3;
	s8 =	sor.u32 s26, s8  }
0xf: {  	s26 =	simm.s32 $0x0;
	s29 =	sadd.s32 s7, s4;
	s8 =	sshrl.u32 s8, $0x3  }
0x10: {  	s31 =	sadd.s32 s6, s7;
	s12 =	sadd.s32 s8, s4;
	s4 =	sadd.s32 s30, s2  }
0x11: {  	s5 =	sadd.s32 $0x21200, s29;
	s6 =	sadd.s32 $0x19000, s31;
	s7 =	sadd.s32 $0x21B60, s29  }
0x12: {  	s8 =	sadd.s32 $0x19960, s31;
	s9 =	sadd.s32 $0x224C0, s29;
	s10 =	sadd.s32 $0x1A2C0, s31  }
0x13: {  	v0 =	vimm.f32 $0.0e+00;
	s11 =	sadd.s32 $0x59600, s12;
	s12 =	smax.u32 s13, $0x1;
	s13 =	simm.s32 $0x14480  }
.LBB2_1:
0x14: {  	s28 =	simm.s32 $0x144C0  }
0x15: {  	[tilespmem:s28+$0xFFFFFFC0] =	vst v0  }
0x16: {  	[tilespmem:s28+$0x30] =	vst v0  }
0x17: {  	[tilespmem:s28+$0x20] =	vst v0  }
0x18: {  	[tilespmem:s28+$0x10] =	vst v0  }
0x19: {  	[tilespmem:s28+$0x0] =	vst v0  }
0x1a: {  	[tilespmem:s28+$0xFFFFFFF0] =	vst v0  }
0x1b: {  	s29 =	simm.s32 $0x0;
	[tilespmem:s28+$0xFFFFFFE0] =	vst v0  }
.LBB2_2:
0x1c: {  	s29 =	sadd.s32 $0x8, s29;
	[tilespmem:s28+$0xFFFFFFD0] =	vst v0;
	s28 =	sadd.s32 $0x80, s28  }
0x1d: {  	[tilespmem:s28+$0xFFFFFFC0] =	vst v0;
	p0 =	slt.u32 s29, $0x180  }
0x1e: {  	[tilespmem:s28+$0x30] =	vst v0  }
.Ltmp0:
0x1f: {  	[tilespmem:s28+$0x20] =	vst v0;
	(pc) =	sbr.rel @p0 .LBB2_2-.Ltmp0, $4  }
0x20: {  	[tilespmem:s28+$0x10] =	vst v0  }
0x21: {  	[tilespmem:s28+$0x0] =	vst v0  }
0x22: {  	[tilespmem:s28+$0xFFFFFFF0] =	vst v0  }
0x23: {  	[tilespmem:s28+$0xFFFFFFE0] =	vst v0  }
0x24: {  	[tilespmem:s28+$0xFFFFFFD0] =	vst v0  }
0x25: {  	[spmem:s4] =	stream.linear.scatter [tilespmem:s13], [sflag:$0x5], $0x1880, $0x38;
	[tilespmem:$0x15D00] =	vst v63  }
0x26: {  	_ =	swait.ge [sflag:s14], $0x1880  }
0x27: {  	[sflag:s14] =	ssyncset.done $0x0  }
0x28: {  	[sflag:s14] =	ssyncadd.s32 $0xFFFFE780  }
0x29: {  	[bflag:$0x0] =	sbarrier.arrive $0xFFFF  }
0x2a: {  	[tilespmem:s15], [sflag:$0x1] =	stream.linear.gather [hbm4b:s5+s3], $0x4B00, $0x38;
	[tilespmem:$0x15D00] =	vst v63  }
0x2b: {  	_ = 	snop  }
0x2c: {  	[tilespmem:s16], [sflag:$0x1] =	stream.linear.gather [hbm4b:s6+s3], $0x4B00, $0x38;
	[tilespmem:$0x15D00] =	vst v63  }
0x2d: {  	_ =	swait.ge [sflag:s17], $0x4B00  }
0x2e: {  	[sflag:s17] =	ssyncset.done $0x0  }
0x2f: {  	[sflag:s17] =	ssyncadd.s32 $0xFFFFB500  }
0x30: {  	_ =	swait.ge [sflag:s17], $0x4B00  }
0x31: {  	[sflag:s17] =	ssyncset.done $0x0  }
0x32: {  	[sflag:s17] =	ssyncadd.s32 $0xFFFFB500  }
0x33: {  	[tilespmem:s18], [sflag:$0x2] =	stream.linear.gather [hbm4b:s7+s3], $0x4B00, $0x38;
	[tilespmem:$0x15D00] =	vst v63  }
0x34: {  	_ = 	snop  }
0x35: {  	[tilespmem:s19], [sflag:$0x2] =	stream.linear.gather [hbm4b:s8+s3], $0x4B00, $0x38;
	[tilespmem:$0x15D00] =	vst v63  }
0x36: {  	_ = 	snop  }
0x37: {  	[spmem:s2] =	stream.indirect.scatter.add.f32 [tilespmem:s15], [sflag:$0x3], $0x1, s16, s20, $0xb8;
	[tilespmem:$0x15D00] =	vst v63  }
0x38: {  	_ =	swait.ge [sflag:s21], $0x4B00  }
0x39: {  	[sflag:s21] =	ssyncset.done $0x0  }
0x3a: {  	[sflag:s21] =	ssyncadd.s32 $0xFFFFB500  }
0x3b: {  	_ =	swait.ge [sflag:s21], $0x4B00  }
0x3c: {  	[sflag:s21] =	ssyncset.done $0x0  }
0x3d: {  	[sflag:s21] =	ssyncadd.s32 $0xFFFFB500  }
0x3e: {  	_ =	swait.ge [sflag:s22], $0x4B00  }
0x3f: {  	[sflag:s22] =	ssyncset.done $0x0  }
0x40: {  	[sflag:s22] =	ssyncadd.s32 $0xFFFFB500  }
0x41: {  	[tilespmem:s15], [sflag:$0x1] =	stream.linear.gather [hbm4b:s9+s3], $0x4B00, $0x38;
	[tilespmem:$0x15D00] =	vst v63  }
0x42: {  	_ = 	snop  }
0x43: {  	[tilespmem:s16], [sflag:$0x1] =	stream.linear.gather [hbm4b:s10+s3], $0x4B00, $0x38;
	[tilespmem:$0x15D00] =	vst v63  }
0x44: {  	_ = 	snop  }
0x45: {  	[spmem:s2] =	stream.indirect.scatter.add.f32 [tilespmem:s18], [sflag:$0x4], $0x1, s19, s20, $0xb8;
	[tilespmem:$0x15D00] =	vst v63  }
0x46: {  	_ =	swait.ge [sflag:s17], $0x4B00  }
0x47: {  	[sflag:s17] =	ssyncset.done $0x0  }
0x48: {  	[sflag:s17] =	ssyncadd.s32 $0xFFFFB500  }
0x49: {  	_ =	swait.ge [sflag:s17], $0x4B00  }
0x4a: {  	[sflag:s17] =	ssyncset.done $0x0  }
0x4b: {  	[sflag:s17] =	ssyncadd.s32 $0xFFFFB500  }
0x4c: {  	[spmem:s2] =	stream.indirect.scatter.add.f32 [tilespmem:s15], [sflag:$0x3], $0x1, s16, s20, $0xb8;
	[tilespmem:$0x15D00] =	vst v63  }
0x4d: {  	_ =	swait.ge [sflag:s22], $0x4B00  }
0x4e: {  	[sflag:s22] =	ssyncset.done $0x0  }
0x4f: {  	[sflag:s22] =	ssyncadd.s32 $0xFFFFB500  }
0x50: {  	_ =	swait.ge [sflag:s23], $0x4B00  }
0x51: {  	s31 =	sshll.u32 s0, $0x6;
	s26 =	sadd.s32 $0x1, s26;
	[sflag:s23] =	ssyncset.done $0x0  }
0x52: {  	s29 =	sshrl.u32 s4, $0x3;
	p0 =	sne.s32 s26, s12;
	[sflag:s23] =	ssyncadd.s32 $0xFFFFB500  }
.Ltmp1:
0x53: {  	s28 =	sor.u32 $0x1C05, s31;
	[bflag:$0x0] =	sbarrier.arrive $0xFFFF;
	(pc) =	sbr.rel @p0 .LBB2_1-.Ltmp1, $4  }
0x54: {  	[hbm:s11@s24], [sflag:s28] =	dma.strided [spmem:s29@s25], $0x310, s17, $0x10   }
0x55: {  	_ =	swait.ge [sflag:s14], $0x310  }
0x56: {  	[sflag:s14] =	ssyncset.done $0x0  }
0x57: {  	[sflag:s14] =	ssyncadd.s32 $0xFFFFFCF0  }
0x58: {  	_ =	sfence.sel $0x180000  }
0x59: {  	[bflag:$0x0] =	sbarrier.arrive $0xFFFF  }
0x5a: {  	p0 =	sne.s32 s0, $0x0;
	_ =	strace $0x9000004A  }
0x5b: {  	s0 =	sadd.s32 @!p0 $0x100000, s1;
	[bflag:$0x2] =	sbarrier.arrive $0xFFFF  }
0x5c: {  	[sflag:s0] =	ssyncadd.tile.s32 @!p0 $0x1;
	_ =	shalt  }
.Lfunc_end2:
_tile_overlayer_lowered:
.L_overlay_start_2:
0x5d: {  	(tag) =	ssettag $0x2  }
0x5e: {  	s0 =	rddreg [dreg:$0x0];
	s2 =	stileid.u32  }
0x5f: {  	s1 =	rddreg [dreg:$0x1];
	p0 =	sne.s32 s2, $0x0  }
0x60: {  	s3 =	rddreg [dreg:$0x2];
	[bflag:$0x3] =	sbarrier.arrive $0xFFFF;
	s2 =	simm.s32 @!p0 $0x1C05  }
0x61: {  	[timem:s3], [sflag:s2] =	dma.local @!p0 [hbm:s0], s1  }
0x62: {  	s0 =	simm.s32 @!p0 $0x5  }
0x63: {  	_ =	swait.ge @!p0 [sflag:s0], s1  }
0x64: {  	s1 =	ssub.s32 @!p0 $0x0, s1;
	[sflag:s0] =	ssyncset.done @!p0 $0x0  }
0x65: {  	[sflag:s0] =	ssyncadd.s32 @!p0 s1  }
0x66: {  	[bflag:$0x3] =	sbarrier.arrive $0xFFFF  }
0x67: {  	_ =	shalt  }

// kernel: kernel.17.cloned.1.call-start
scs
__scs_entry_jumppad:
0x0: {  	(pc) =	sbr.rel $0x88, $3  }
0x1: {  	(tag) =	ssettag $0x0;
	lr =	simm.s32 $0x1  }
0x2: {  	[smem:$0x3F9E] =	sst lr;
	_ =	strace $0xD0000000  }
0x3: {  	_ = 	snop  }
0x4: {  	_ = 	snop  }
0x5: {  	_ = 	snop  }
0x6: {  	_ = 	snop  }
0x7: {  	_ = 	snop  }
__scs_overlays_trampoline_lowered:
0x8: {  	[smem:$0x3FAD] =	sst s0  }
0x9: {  	[smem:$0x3FAE] =	sst s1  }
0xa: {  	[smem:$0x3FAF] =	sst s2  }
0xb: {  	[smem:$0x3FB0] =	sst s3  }
0xc: {  	[smem:$0x3FB1] =	sst s4  }
0xd: {  	[smem:$0x3FB2] =	sst s5  }
0xe: {  	[smem:$0x3FB3] =	sst s6  }
0xf: {  	[smem:$0x3FB4] =	sst s7  }
0x10: {  	[smem:$0x3FB5] =	sst s8  }
0x11: {  	[smem:$0x3FB6] =	sst s9;
	s0 =	simm.s32 @!p0 $0x0  }
0x12: {  	s1 =	sld [smem:$0x3F9C];
	s0 =	simm.s32 @p0 $0x1  }
0x13: {  	[smem:$0x3FB7] =	sst s0;
	s0 =	simm.s32 @!p1 $0x0  }
0x14: {  	s2 =	sld [smem:$0x3F9B];
	s0 =	simm.s32 @p1 $0x1  }
0x15: {  	[smem:$0x3FB8] =	sst s0;
	s0 =	simm.s32 @!p2 $0x0  }
0x16: {  	s3 =	sld [smem:$0x3FDB];
	s0 =	simm.s32 @p2 $0x1  }
0x17: {  	s4 =	simm.s32 $0x1BF5;
	[smem:$0x3FBA] =	sst s0  }
0x18: {  	s0 =	sld [smem:$0x3F9D];
	_ =	swait.ge [sflag:s4], $0x0  }
0x19: {  	s7 =	sld [smem:$0x3F9E]  }
0x1a: {  	s8 =	sadd.s32 $0xFFFFE003, lr  }
0x1b: {  	s9 =	sadd.s32 $0xFFFFFEF7, lr;
	s5 =	simm.s32 $0xFFFFFFFF;
	p2 =	slt.u32 s8, $0xFFFFF086  }
0x1c: {  	p1 =	slt.u32 s9, $0xF7A;
	s5 =	simm.s32 @!p2 $0x0  }
0x1d: {  	s5 =	simm.s32 @p1 $0x1;
	p0 =	seq.s32 s7, s2  }
0x1e: {  	s7 =	smul.u32 @!p0 $0xF7A, s2;
	p2 =	seq.s32 @!p0 s5, $0x0  }
0x1f: {  	s9 =	smul.u32 $0xF7A, s1;
	s8 =	simm.s32 @!p0 $0x1BF5;
	p2 =	por !p2, p0  }
0x20: {  	[sflag:s8] =	ssyncset.s32 @!p0 $0xFFFFF086;
	s6 =	sadd.s32 @!p0 s3, s7;
	s7 =	simm.s32 @!p0 $0x108  }
0x21: {  	s3 =	sadd.s32 s3, s9;
	s6 =	sadd.s32 @!p0 $0x88, s6;
	s7 =	simm.s32 @p2 $0x1082  }
0x22: {  	[simem:s7], [sflag:s8] =	dma.local @!p0 [hbm:s6], $0xF7A  }
0x23: {  	s9 =	sor.u32 $0xD0000000, s2;
	s6 =	simm.s32 $0x108;
	_ =	swait.ge @!p0 [sflag:s8], $0x0  }
0x24: {  	s3 =	sadd.s32 $0x88, s3;
	s6 =	simm.s32 @!p1 $0x1082;
	[sflag:s4] =	ssyncset.s32 $0xFFFFF086  }
0x25: {  	[simem:s6], [sflag:s4] =	dma.local [hbm:s3], $0xF7A  }
0x26: {  	[smem:$0x3F9E] =	sst s1;
	(tag) =	ssettag s2;
	_ =	strace s9  }
0x27: {  	s1 =	sld [smem:$0x3FAE]  }
0x28: {  	s2 =	sld [smem:$0x3FAF]  }
0x29: {  	s4 =	sld [smem:$0x3FB1]  }
0x2a: {  	p0 =	seq.s32 s5, $0x0;
	s5 =	sld [smem:$0x3FB2]  }
0x2b: {  	s6 =	sld [smem:$0x3FB3]  }
0x2c: {  	s7 =	sld [smem:$0x3FB4]  }
0x2d: {  	s3 =	simm.s32 $0x108;
	s8 =	sld [smem:$0x3FB5]  }
0x2e: {  	s3 =	simm.s32 @!p0 $0x1082;
	s9 =	sld [smem:$0x3FB6]  }
0x2f: {  	lr =	sadd.s32 s0, s3;
	s0 =	sld [smem:$0x3FAD]  }
0x30: {  	s3 =	sld [smem:$0x3FB0]  }
0x31: {  	[smem:$0x3FB9] =	sst s10  }
0x32: {  	s10 =	sld [smem:$0x3FB7];
	_ =	sdelay $0x3  }
0x33: {  	p0 =	seq.s32 s10, $0x1;
	s10 =	sld [smem:$0x3FB9];
	_ =	sdelay $0x3  }
0x34: {  	[smem:$0x3FB9] =	sst s10  }
0x35: {  	s10 =	sld [smem:$0x3FB8];
	_ =	sdelay $0x3  }
0x36: {  	p1 =	seq.s32 s10, $0x1;
	s10 =	sld [smem:$0x3FB9];
	_ =	sdelay $0x3  }
0x37: {  	[smem:$0x3FB9] =	sst s10  }
0x38: {  	s10 =	sld [smem:$0x3FBA]  }
0x39: {  	_ = 	snop;
	(pc) =	sbr.ind lr, $3  }
0x3a: {  	_ = 	snop  }
0x3b: {  	_ = 	snop  }
0x3c: {  	p2 =	seq.s32 s10, $0x1;
	s10 =	sld [smem:$0x3FB9]  }
0x3d: {  	_ =	shalt  }
0x3e: {  	_ =	shalt  }
0x3f: {  	_ =	shalt  }
0x40: {  	_ =	shalt  }
0x41: {  	_ =	shalt  }
0x42: {  	_ =	shalt  }
0x43: {  	_ =	shalt  }
0x44: {  	_ =	shalt  }
0x45: {  	_ =	shalt  }
0x46: {  	_ =	shalt  }
0x47: {  	_ =	shalt  }
0x48: {  	_ =	shalt  }
0x49: {  	_ =	shalt  }
0x4a: {  	_ =	shalt  }
0x4b: {  	_ =	shalt  }
0x4c: {  	_ =	shalt  }
0x4d: {  	_ =	shalt  }
0x4e: {  	_ =	shalt  }
0x4f: {  	_ =	shalt  }
0x50: {  	_ =	shalt  }
0x51: {  	_ =	shalt  }
0x52: {  	_ =	shalt  }
0x53: {  	_ =	shalt  }
0x54: {  	_ =	shalt  }
0x55: {  	_ =	shalt  }
0x56: {  	_ =	shalt  }
0x57: {  	_ =	shalt  }
0x58: {  	_ =	shalt  }
0x59: {  	_ =	shalt  }
0x5a: {  	_ =	shalt  }
0x5b: {  	_ =	shalt  }
0x5c: {  	_ =	shalt  }
0x5d: {  	_ =	shalt  }
0x5e: {  	_ =	shalt  }
0x5f: {  	_ =	shalt  }
0x60: {  	_ =	shalt  }
0x61: {  	_ =	shalt  }
0x62: {  	_ =	shalt  }
0x63: {  	_ =	shalt  }
0x64: {  	_ =	shalt  }
0x65: {  	_ =	shalt  }
0x66: {  	_ =	shalt  }
0x67: {  	_ =	shalt  }
0x68: {  	_ =	shalt  }
0x69: {  	_ =	shalt  }
0x6a: {  	_ =	shalt  }
0x6b: {  	_ =	shalt  }
0x6c: {  	_ =	shalt  }
0x6d: {  	_ =	shalt  }
0x6e: {  	_ =	shalt  }
0x6f: {  	_ =	shalt  }
0x70: {  	_ =	shalt  }
0x71: {  	_ =	shalt  }
0x72: {  	_ =	shalt  }
0x73: {  	_ =	shalt  }
0x74: {  	_ =	shalt  }
0x75: {  	_ =	shalt  }
0x76: {  	_ =	shalt  }
0x77: {  	_ =	shalt  }
0x78: {  	_ =	shalt  }
0x79: {  	_ =	shalt  }
0x7a: {  	_ =	shalt  }
0x7b: {  	_ =	shalt  }
0x7c: {  	_ =	shalt  }
0x7d: {  	_ =	shalt  }
0x7e: {  	_ =	shalt  }
0x7f: {  	_ =	shalt  }
0x80: {  	_ =	shalt  }
0x81: {  	_ =	shalt  }
0x82: {  	_ =	shalt  }
0x83: {  	_ =	shalt  }
0x84: {  	_ =	shalt  }
0x85: {  	_ =	shalt  }
0x86: {  	_ =	shalt  }
0x87: {  	_ =	shalt  }
.Lfunc_end0:
.L_simem_size_0:
called_computation.2_lowered:
.L_overlay_start_0:
0x88: {  	s2 =	sld [smem:$0x3FD9]  }
0x89: {  	s3 =	sld [smem:$0x3FFE];
	_ =	sdelay $0x1  }
0x8a: {  	s1 =	srdreg.scid  }
0x8b: {  	s0 =	sand.u32 $0x1, s1  }
0x8c: {  	s17 =	sshll.u32 s0, $0xA;
	s2 =	sadd.s32 s3, s2  }
0x8d: {  	s2 =	sadd.s32 s2, s17  }
0x8e: {  	[smem:$0x3FC5] =	sst s2  }
0x8f: {  	_ = 	snop  }
0x90: {  	s18 =	sld [smem:$0x3FC7];
	(tm) =	ssettm $0x1  }
0x91: {  	s19 =	sld [smem:$0x3FFB];
	_ =	sdelay $0x3  }
0x92: {  	_ =	strace s19  }
0x93: {  	s2 =	sld [smem:$0x3FFC];
	_ =	sdelay $0x3  }
0x94: {  	_ =	strace s2  }
0x95: {  	s2 =	sld [smem:$0x3FFD];
	_ =	sdelay $0x3  }
0x96: {  	_ =	strace s2  }
0x97: {  	_ =	strace $0x8FFFFFFF  }
0x98: {  	s20 =	sld [smem:$0x3FDB];
	_ =	sdelay $0x1  }
0x99: {  	s4 =	simm.s32 $_scs_section_size  }
0x9a: {  	s5 =	simm.s32 $_size__tile_overlayer_lowered;
	s6 =	simm.s32 $_tile_overlayer_lowered  }
0x9b: {  	s7 =	simm.s32 $0x1BFF;
	s21 =	sshll.u32 s6, $0x1;
	s4 =	sadd.s32 s4, s20  }
0x9c: {  	s22 =	simm.s32 $0x0;
	s5 =	sshll.u32 s5, $0x1;
	s6 =	sadd.s32 s21, s4  }
0x9d: {  	[timem:s22], [sflag:s7] =	dma.local [hbm:s6], s5  }
0x9e: {  	_ =	swait.ge [sflag:s7], s5  }
0x9f: {  	s5 =	ssub.s32 $0x0, s5;
	[sflag:s7] =	ssyncset.done $0x0  }
0xa0: {  	[sflag:s7] =	ssyncadd.s32 s5;
	_ =	sdelay $0x1  }
0xa1: {  	s23 =	simm.s32 $0x1B8B  }
0xa2: {  	_ =	swait.ge [sflag:s23], $0x1  }
0xa3: {  	[sflag:s23] =	ssyncset.done $0x0  }
0xa4: {  	[sflag:s23] =	ssyncadd.s32 $0xFFFFFFFF  }
0xa5: {  	s5 =	sld [smem:$0x0]  }
0xa6: {  	s6 =	sand.u32 $0xFFFFFFFE, s1  }
0xa7: {  	p0 =	sne.s32 s1, s6  }
0xa8: {  	s6 =	sshll.u32 @p0 s6, $0xE  }
0xa9: {  	s6 =	sadd.s32 @p0 $0x11B8D, s6;
	s7 =	sshll.u32 @p0 s5, $0x11  }
0xaa: {  	s6 =	sor.u32 @p0 s7, s6  }
0xab: {  	[sflag:s6] =	ssyncadd.remote.s32 @p0 $0x1;
	_ =	sdelay $0x1  }
0xac: {  	s6 =	simm.s32 @p0 $0x1B8D  }
0xad: {  	_ =	swait.eq @p0 [sflag:s6], $0x1  }
0xae: {  	[sflag:s6] =	ssyncadd.s32 @p0 $0xFFFFFFFF  }
0xaf: {  	s7 =	sshll.u32 @!p0 s1, $0xE  }
0xb0: {  	s7 =	sor.u32 @!p0 $0x4000, s7;
	s6 =	simm.s32 @!p0 $0x1B8D  }
0xb1: {  	s5 =	sshll.u32 @!p0 s5, $0x11;
	s7 =	sadd.s32 @!p0 $0x11B8D, s7;
	_ =	swait.eq @!p0 [sflag:s6], $0x1  }
0xb2: {  	s5 =	sor.u32 @!p0 s5, s7;
	[sflag:s6] =	ssyncadd.s32 @!p0 $0xFFFFFFFF  }
0xb3: {  	s25 =	simm.s32 $0x1B8E;
	s24 =	sld [smem:$0x3FFE];
	[sflag:s5] =	ssyncadd.remote.s32 @!p0 $0x1  }
0xb4: {  	s26 =	simm.s32 $execute0_lowered;
	[smem:$0x3FD2] =	sst s25  }
0xb5: {  	s6 =	sshll.u32 s26, $0x1;
	_ =	strace $0x8000004C;
	[dreg:$0x1] =	wrdreg $0xFFFFFFFF  }
0xb6: {  	s28 =	simm.s32 $_size_execute0_lowered;
	s4 =	sadd.s32 s4, s6;
	[dreg:$0x0] =	wrdreg $0x0  }
0xb7: {  	s6 =	sshll.u32 s28, $0x1;
	[dreg:$0x2] =	wrdreg s4  }
0xb8: {  	[dreg:$0x3] =	wrdreg s6  }
0xb9: {  	[dreg:$0x4] =	wrdreg $0xC0  }
0xba: {  	_ =	task [dreg:s22], $0x5FFFF  }
0xbb: {  	[dreg:$0x1] =	wrdreg $0xFFFFFFFF  }
0xbc: {  	[dreg:$0x0] =	wrdreg $0x60  }
0xbd: {  	[dreg:$0x2] =	wrdreg s24  }
0xbe: {  	[dreg:$0x3] =	wrdreg s18  }
0xbf: {  	[dreg:$0x4] =	wrdreg $0x0  }
0xc0: {  	[dreg:$0x5] =	wrdreg $0xB  }
0xc1: {  	_ =	task.clear_ibuf [dreg:s22], $0x6FFFF;
	_ =	strace $0x9000004C  }
0xc2: {  	s29 =	simm.s32 $0xB;
	_ =	strace $0x8000004E  }
0xc3: {  	_ =	swait.ge [sflag:s29], $0x1  }
0xc4: {  	[sflag:s29] =	ssyncadd.s32 $0xFFFFFFFF  }
0xc5: {  	_ =	strace $0x9000004E  }
0xc6: {  	_ =	sfence  }
0xc7: {  	s30 =	sld [smem:$0x0];
	_ =	sdelay $0x2  }
0xc8: {  	s31 =	sshll.u32 s1, $0xD;
	s1 =	sshrl.u32 s1, $0x2  }
0xc9: {  	s4 =	sand.u32 $0x4000, s31;
	s1 =	sadd.s32 s1, s30  }
0xca: {  	s0 =	sor.u32 s4, s0;
	s1 =	sshll.u32 s1, $0x11  }
0xcb: {  	s0 =	sor.u32 s1, s0  }
0xcc: {  	s0 =	sadd.s32 $0x8F2B, s0  }
0xcd: {  	[sflag:s0] =	ssyncadd.remote.s32 $0x1  }
0xce: {  	_ =	sfence.sel $0xFFFF  }
0xcf: {  	[dreg:$0x0] =	wrdreg $0xFFFFFFFF;
	(pc) =	sbr.abs _section_cstart, $3  }
0xd0: {  	[dreg:$0x1] =	wrdreg $0xFFFFFFFF  }
0xd1: {  	_ =	task.clear_ibuf [dreg:s22], $0x2FFFF;
	_ =	strace $0x9FFFFFFF  }
0xd2: {  	(tm) =	ssettm $0x7FFFFFFF  }
0xd3: {  	_ =	shalt  }
tec
execute0_lowered:
.L_overlay_start_1:
0x0: {  	(tag) =	ssettag $0x1  }
0x1: {  	s4 =	rddreg [dreg:$0x0]  }
0x2: {  	s1 =	srdreg.scid;
	s6 =	rddreg [dreg:$0x1]  }
0x3: {  	s0 =	stileid.u32;
	s2 =	rddreg [dreg:$0x2]  }
0x4: {  	s14 =	simm.s32 $0x5;
	s15 =	simm.s32 $0x1880;
	s16 =	simm.s32 $0x6380  }
0x5: {  	s17 =	simm.s32 $0x1;
	s18 =	simm.s32 $0xAE80;
	s19 =	simm.s32 $0xF980  }
0x6: {  	s20 =	simm.s32 $0x4B00;
	s21 =	simm.s32 $0x2;
	s22 =	simm.s32 $0x3  }
0x7: {  	s23 =	simm.s32 $0x4;
	s24 =	simm.s32 $0x80;
	s5 =	sand.u32 $0x1, s1  }
0x8: {  	s25 =	sshll.u32 s0, $0x1;
	s1 =	rddreg [dreg:$0x3];
	s28 =	smul.u32 $0x6200, s0  }
0x9: {  	s9 =	sshrl.u32 s0, $0x3;
	s10 =	sshll.u32 s0, $0x7;
	s8 =	smul.u32 $0x18800, s5  }
0xa: {  	s3 =	sor.u32 s5, s25;
	s9 =	smul.u32 $0xC400, s9;
	s26 =	sand.u32 $0x380, s10  }
0xb: {  	s5 =	ssub.s32 $0x2, s5;
	s25 =	simm.s32 $0x10;
	s7 =	smul.u32 $0xE100, s3  }
0xc: {  	s3 =	simm.s32 $0x0;
	s11 =	sshrl.u32 s5, $0x1;
	s30 =	sshrl.u32 s28, $0x2  }
0xd: {  	[smem:$0x7FF] =	sst s3;
	s8 =	sadd.s32 s8, s9;
	s13 =	ssub.s32 s5, s11  }
0xe: {  	_ =	strace $0x8000004D;
	s7 =	sshrl.u32 s7, $0x3;
	s8 =	sor.u32 s26, s8  }
0xf: {  	s26 =	simm.s32 $0x0;
	s29 =	sadd.s32 s7, s4;
	s8 =	sshrl.u32 s8, $0x3  }
0x10: {  	s31 =	sadd.s32 s6, s7;
	s12 =	sadd.s32 s8, s4;
	s4 =	sadd.s32 s30, s2  }
0x11: {  	s5 =	sadd.s32 $0x5F800, s29;
	s6 =	sadd.s32 $0x51400, s31;
	s7 =	sadd.s32 $0x60160, s29  }
0x12: {  	s8 =	sadd.s32 $0x51D60, s31;
	s9 =	sadd.s32 $0x60AC0, s29;
	s10 =	sadd.s32 $0x526C0, s31  }
0x13: {  	v0 =	vimm.f32 $0.0e+00;
	s11 =	sadd.s32 $0x97C00, s12;
	s12 =	smax.u32 s13, $0x1;
	s13 =	simm.s32 $0x14480  }
.LBB2_1:
0x14: {  	s28 =	simm.s32 $0x144C0  }
0x15: {  	[tilespmem:s28+$0xFFFFFFC0] =	vst v0  }
0x16: {  	[tilespmem:s28+$0x30] =	vst v0  }
0x17: {  	[tilespmem:s28+$0x20] =	vst v0  }
0x18: {  	[tilespmem:s28+$0x10] =	vst v0  }
0x19: {  	[tilespmem:s28+$0x0] =	vst v0  }
0x1a: {  	[tilespmem:s28+$0xFFFFFFF0] =	vst v0  }
0x1b: {  	s29 =	simm.s32 $0x0;
	[tilespmem:s28+$0xFFFFFFE0] =	vst v0  }
.LBB2_2:
0x1c: {  	s29 =	sadd.s32 $0x8, s29;
	[tilespmem:s28+$0xFFFFFFD0] =	vst v0;
	s28 =	sadd.s32 $0x80, s28  }
0x1d: {  	[tilespmem:s28+$0xFFFFFFC0] =	vst v0;
	p0 =	slt.u32 s29, $0x180  }
0x1e: {  	[tilespmem:s28+$0x30] =	vst v0  }
.Ltmp0:
0x1f: {  	[tilespmem:s28+$0x20] =	vst v0;
	(pc) =	sbr.rel @p0 .LBB2_2-.Ltmp0, $4  }
0x20: {  	[tilespmem:s28+$0x10] =	vst v0  }
0x21: {  	[tilespmem:s28+$0x0] =	vst v0  }
0x22: {  	[tilespmem:s28+$0xFFFFFFF0] =	vst v0  }
0x23: {  	[tilespmem:s28+$0xFFFFFFE0] =	vst v0  }
0x24: {  	[tilespmem:s28+$0xFFFFFFD0] =	vst v0  }
0x25: {  	[spmem:s4] =	stream.linear.scatter [tilespmem:s13], [sflag:$0x5], $0x1880, $0x38;
	[tilespmem:$0x15D00] =	vst v63  }
0x26: {  	_ =	swait.ge [sflag:s14], $0x1880  }
0x27: {  	[sflag:s14] =	ssyncset.done $0x0  }
0x28: {  	[sflag:s14] =	ssyncadd.s32 $0xFFFFE780  }
0x29: {  	[bflag:$0x0] =	sbarrier.arrive $0xFFFF  }
0x2a: {  	[tilespmem:s15], [sflag:$0x1] =	stream.linear.gather [hbm4b:s5+s3], $0x4B00, $0x38;
	[tilespmem:$0x15D00] =	vst v63  }
0x2b: {  	_ = 	snop  }
0x2c: {  	[tilespmem:s16], [sflag:$0x1] =	stream.linear.gather [hbm4b:s6+s3], $0x4B00, $0x38;
	[tilespmem:$0x15D00] =	vst v63  }
0x2d: {  	_ =	swait.ge [sflag:s17], $0x4B00  }
0x2e: {  	[sflag:s17] =	ssyncset.done $0x0  }
0x2f: {  	[sflag:s17] =	ssyncadd.s32 $0xFFFFB500  }
0x30: {  	_ =	swait.ge [sflag:s17], $0x4B00  }
0x31: {  	[sflag:s17] =	ssyncset.done $0x0  }
0x32: {  	[sflag:s17] =	ssyncadd.s32 $0xFFFFB500  }
0x33: {  	[tilespmem:s18], [sflag:$0x2] =	stream.linear.gather [hbm4b:s7+s3], $0x4B00, $0x38;
	[tilespmem:$0x15D00] =	vst v63  }
0x34: {  	_ = 	snop  }
0x35: {  	[tilespmem:s19], [sflag:$0x2] =	stream.linear.gather [hbm4b:s8+s3], $0x4B00, $0x38;
	[tilespmem:$0x15D00] =	vst v63  }
0x36: {  	_ = 	snop  }
0x37: {  	[spmem:s2] =	stream.indirect.scatter.add.f32 [tilespmem:s15], [sflag:$0x3], $0x1, s16, s20, $0xb8;
	[tilespmem:$0x15D00] =	vst v63  }
0x38: {  	_ =	swait.ge [sflag:s21], $0x4B00  }
0x39: {  	[sflag:s21] =	ssyncset.done $0x0  }
0x3a: {  	[sflag:s21] =	ssyncadd.s32 $0xFFFFB500  }
0x3b: {  	_ =	swait.ge [sflag:s21], $0x4B00  }
0x3c: {  	[sflag:s21] =	ssyncset.done $0x0  }
0x3d: {  	[sflag:s21] =	ssyncadd.s32 $0xFFFFB500  }
0x3e: {  	_ =	swait.ge [sflag:s22], $0x4B00  }
0x3f: {  	[sflag:s22] =	ssyncset.done $0x0  }
0x40: {  	[sflag:s22] =	ssyncadd.s32 $0xFFFFB500  }
0x41: {  	[tilespmem:s15], [sflag:$0x1] =	stream.linear.gather [hbm4b:s9+s3], $0x4B00, $0x38;
	[tilespmem:$0x15D00] =	vst v63  }
0x42: {  	_ = 	snop  }
0x43: {  	[tilespmem:s16], [sflag:$0x1] =	stream.linear.gather [hbm4b:s10+s3], $0x4B00, $0x38;
	[tilespmem:$0x15D00] =	vst v63  }
0x44: {  	_ = 	snop  }
0x45: {  	[spmem:s2] =	stream.indirect.scatter.add.f32 [tilespmem:s18], [sflag:$0x4], $0x1, s19, s20, $0xb8;
	[tilespmem:$0x15D00] =	vst v63  }
0x46: {  	_ =	swait.ge [sflag:s17], $0x4B00  }
0x47: {  	[sflag:s17] =	ssyncset.done $0x0  }
0x48: {  	[sflag:s17] =	ssyncadd.s32 $0xFFFFB500  }
0x49: {  	_ =	swait.ge [sflag:s17], $0x4B00  }
0x4a: {  	[sflag:s17] =	ssyncset.done $0x0  }
0x4b: {  	[sflag:s17] =	ssyncadd.s32 $0xFFFFB500  }
0x4c: {  	[spmem:s2] =	stream.indirect.scatter.add.f32 [tilespmem:s15], [sflag:$0x3], $0x1, s16, s20, $0xb8;
	[tilespmem:$0x15D00] =	vst v63  }
0x4d: {  	_ =	swait.ge [sflag:s22], $0x4B00  }
0x4e: {  	[sflag:s22] =	ssyncset.done $0x0  }
0x4f: {  	[sflag:s22] =	ssyncadd.s32 $0xFFFFB500  }
0x50: {  	_ =	swait.ge [sflag:s23], $0x4B00  }
0x51: {  	s31 =	sshll.u32 s0, $0x6;
	s26 =	sadd.s32 $0x1, s26;
	[sflag:s23] =	ssyncset.done $0x0  }
0x52: {  	s29 =	sshrl.u32 s4, $0x3;
	p0 =	sne.s32 s26, s12;
	[sflag:s23] =	ssyncadd.s32 $0xFFFFB500  }
.Ltmp1:
0x53: {  	s28 =	sor.u32 $0x1C05, s31;
	[bflag:$0x0] =	sbarrier.arrive $0xFFFF;
	(pc) =	sbr.rel @p0 .LBB2_1-.Ltmp1, $4  }
0x54: {  	[hbm:s11@s24], [sflag:s28] =	dma.strided [spmem:s29@s25], $0x310, s17, $0x10   }
0x55: {  	_ =	swait.ge [sflag:s14], $0x310  }
0x56: {  	[sflag:s14] =	ssyncset.done $0x0  }
0x57: {  	[sflag:s14] =	ssyncadd.s32 $0xFFFFFCF0  }
0x58: {  	_ =	sfence.sel $0x180000  }
0x59: {  	[bflag:$0x0] =	sbarrier.arrive $0xFFFF  }
0x5a: {  	p0 =	sne.s32 s0, $0x0;
	_ =	strace $0x9000004D  }
0x5b: {  	s0 =	sadd.s32 @!p0 $0x100000, s1;
	[bflag:$0x2] =	sbarrier.arrive $0xFFFF  }
0x5c: {  	[sflag:s0] =	ssyncadd.tile.s32 @!p0 $0x1;
	_ =	shalt  }
.Lfunc_end2:
_tile_overlayer_lowered:
.L_overlay_start_2:
0x5d: {  	(tag) =	ssettag $0x2  }
0x5e: {  	s0 =	rddreg [dreg:$0x0];
	s2 =	stileid.u32  }
0x5f: {  	s1 =	rddreg [dreg:$0x1];
	p0 =	sne.s32 s2, $0x0  }
0x60: {  	s3 =	rddreg [dreg:$0x2];
	[bflag:$0x3] =	sbarrier.arrive $0xFFFF;
	s2 =	simm.s32 @!p0 $0x1C05  }
0x61: {  	[timem:s3], [sflag:s2] =	dma.local @!p0 [hbm:s0], s1  }
0x62: {  	s0 =	simm.s32 @!p0 $0x5  }
0x63: {  	_ =	swait.ge @!p0 [sflag:s0], s1  }
0x64: {  	s1 =	ssub.s32 @!p0 $0x0, s1;
	[sflag:s0] =	ssyncset.done @!p0 $0x0  }
0x65: {  	[sflag:s0] =	ssyncadd.s32 @!p0 s1  }
0x66: {  	[bflag:$0x3] =	sbarrier.arrive $0xFFFF  }
0x67: {  	_ =	shalt  }

// kernel: kernel.20.cloned.1.call-start
scs
__scs_entry_jumppad:
0x0: {  	(pc) =	sbr.rel $0x88, $3  }
0x1: {  	(tag) =	ssettag $0x0;
	lr =	simm.s32 $0x1  }
0x2: {  	[smem:$0x3F9E] =	sst lr;
	_ =	strace $0xD0000000  }
0x3: {  	_ = 	snop  }
0x4: {  	_ = 	snop  }
0x5: {  	_ = 	snop  }
0x6: {  	_ = 	snop  }
0x7: {  	_ = 	snop  }
__scs_overlays_trampoline_lowered:
0x8: {  	[smem:$0x3FAD] =	sst s0  }
0x9: {  	[smem:$0x3FAE] =	sst s1  }
0xa: {  	[smem:$0x3FAF] =	sst s2  }
0xb: {  	[smem:$0x3FB0] =	sst s3  }
0xc: {  	[smem:$0x3FB1] =	sst s4  }
0xd: {  	[smem:$0x3FB2] =	sst s5  }
0xe: {  	[smem:$0x3FB3] =	sst s6  }
0xf: {  	[smem:$0x3FB4] =	sst s7  }
0x10: {  	[smem:$0x3FB5] =	sst s8  }
0x11: {  	[smem:$0x3FB6] =	sst s9;
	s0 =	simm.s32 @!p0 $0x0  }
0x12: {  	s1 =	sld [smem:$0x3F9C];
	s0 =	simm.s32 @p0 $0x1  }
0x13: {  	[smem:$0x3FB7] =	sst s0;
	s0 =	simm.s32 @!p1 $0x0  }
0x14: {  	s2 =	sld [smem:$0x3F9B];
	s0 =	simm.s32 @p1 $0x1  }
0x15: {  	[smem:$0x3FB8] =	sst s0;
	s0 =	simm.s32 @!p2 $0x0  }
0x16: {  	s3 =	sld [smem:$0x3FDB];
	s0 =	simm.s32 @p2 $0x1  }
0x17: {  	s4 =	simm.s32 $0x1BF5;
	[smem:$0x3FBA] =	sst s0  }
0x18: {  	s0 =	sld [smem:$0x3F9D];
	_ =	swait.ge [sflag:s4], $0x0  }
0x19: {  	s7 =	sld [smem:$0x3F9E]  }
0x1a: {  	s8 =	sadd.s32 $0xFFFFE003, lr  }
0x1b: {  	s9 =	sadd.s32 $0xFFFFFEF7, lr;
	s5 =	simm.s32 $0xFFFFFFFF;
	p2 =	slt.u32 s8, $0xFFFFF086  }
0x1c: {  	p1 =	slt.u32 s9, $0xF7A;
	s5 =	simm.s32 @!p2 $0x0  }
0x1d: {  	s5 =	simm.s32 @p1 $0x1;
	p0 =	seq.s32 s7, s2  }
0x1e: {  	s7 =	smul.u32 @!p0 $0xF7A, s2;
	p2 =	seq.s32 @!p0 s5, $0x0  }
0x1f: {  	s9 =	smul.u32 $0xF7A, s1;
	s8 =	simm.s32 @!p0 $0x1BF5;
	p2 =	por !p2, p0  }
0x20: {  	[sflag:s8] =	ssyncset.s32 @!p0 $0xFFFFF086;
	s6 =	sadd.s32 @!p0 s3, s7;
	s7 =	simm.s32 @!p0 $0x108  }
0x21: {  	s3 =	sadd.s32 s3, s9;
	s6 =	sadd.s32 @!p0 $0x88, s6;
	s7 =	simm.s32 @p2 $0x1082  }
0x22: {  	[simem:s7], [sflag:s8] =	dma.local @!p0 [hbm:s6], $0xF7A  }
0x23: {  	s9 =	sor.u32 $0xD0000000, s2;
	s6 =	simm.s32 $0x108;
	_ =	swait.ge @!p0 [sflag:s8], $0x0  }
0x24: {  	s3 =	sadd.s32 $0x88, s3;
	s6 =	simm.s32 @!p1 $0x1082;
	[sflag:s4] =	ssyncset.s32 $0xFFFFF086  }
0x25: {  	[simem:s6], [sflag:s4] =	dma.local [hbm:s3], $0xF7A  }
0x26: {  	[smem:$0x3F9E] =	sst s1;
	(tag) =	ssettag s2;
	_ =	strace s9  }
0x27: {  	s1 =	sld [smem:$0x3FAE]  }
0x28: {  	s2 =	sld [smem:$0x3FAF]  }
0x29: {  	s4 =	sld [smem:$0x3FB1]  }
0x2a: {  	p0 =	seq.s32 s5, $0x0;
	s5 =	sld [smem:$0x3FB2]  }
0x2b: {  	s6 =	sld [smem:$0x3FB3]  }
0x2c: {  	s7 =	sld [smem:$0x3FB4]  }
0x2d: {  	s3 =	simm.s32 $0x108;
	s8 =	sld [smem:$0x3FB5]  }
0x2e: {  	s3 =	simm.s32 @!p0 $0x1082;
	s9 =	sld [smem:$0x3FB6]  }
0x2f: {  	lr =	sadd.s32 s0, s3;
	s0 =	sld [smem:$0x3FAD]  }
0x30: {  	s3 =	sld [smem:$0x3FB0]  }
0x31: {  	[smem:$0x3FB9] =	sst s10  }
0x32: {  	s10 =	sld [smem:$0x3FB7];
	_ =	sdelay $0x3  }
0x33: {  	p0 =	seq.s32 s10, $0x1;
	s10 =	sld [smem:$0x3FB9];
	_ =	sdelay $0x3  }
0x34: {  	[smem:$0x3FB9] =	sst s10  }
0x35: {  	s10 =	sld [smem:$0x3FB8];
	_ =	sdelay $0x3  }
0x36: {  	p1 =	seq.s32 s10, $0x1;
	s10 =	sld [smem:$0x3FB9];
	_ =	sdelay $0x3  }
0x37: {  	[smem:$0x3FB9] =	sst s10  }
0x38: {  	s10 =	sld [smem:$0x3FBA]  }
0x39: {  	_ = 	snop;
	(pc) =	sbr.ind lr, $3  }
0x3a: {  	_ = 	snop  }
0x3b: {  	_ = 	snop  }
0x3c: {  	p2 =	seq.s32 s10, $0x1;
	s10 =	sld [smem:$0x3FB9]  }
0x3d: {  	_ =	shalt  }
0x3e: {  	_ =	shalt  }
0x3f: {  	_ =	shalt  }
0x40: {  	_ =	shalt  }
0x41: {  	_ =	shalt  }
0x42: {  	_ =	shalt  }
0x43: {  	_ =	shalt  }
0x44: {  	_ =	shalt  }
0x45: {  	_ =	shalt  }
0x46: {  	_ =	shalt  }
0x47: {  	_ =	shalt  }
0x48: {  	_ =	shalt  }
0x49: {  	_ =	shalt  }
0x4a: {  	_ =	shalt  }
0x4b: {  	_ =	shalt  }
0x4c: {  	_ =	shalt  }
0x4d: {  	_ =	shalt  }
0x4e: {  	_ =	shalt  }
0x4f: {  	_ =	shalt  }
0x50: {  	_ =	shalt  }
0x51: {  	_ =	shalt  }
0x52: {  	_ =	shalt  }
0x53: {  	_ =	shalt  }
0x54: {  	_ =	shalt  }
0x55: {  	_ =	shalt  }
0x56: {  	_ =	shalt  }
0x57: {  	_ =	shalt  }
0x58: {  	_ =	shalt  }
0x59: {  	_ =	shalt  }
0x5a: {  	_ =	shalt  }
0x5b: {  	_ =	shalt  }
0x5c: {  	_ =	shalt  }
0x5d: {  	_ =	shalt  }
0x5e: {  	_ =	shalt  }
0x5f: {  	_ =	shalt  }
0x60: {  	_ =	shalt  }
0x61: {  	_ =	shalt  }
0x62: {  	_ =	shalt  }
0x63: {  	_ =	shalt  }
0x64: {  	_ =	shalt  }
0x65: {  	_ =	shalt  }
0x66: {  	_ =	shalt  }
0x67: {  	_ =	shalt  }
0x68: {  	_ =	shalt  }
0x69: {  	_ =	shalt  }
0x6a: {  	_ =	shalt  }
0x6b: {  	_ =	shalt  }
0x6c: {  	_ =	shalt  }
0x6d: {  	_ =	shalt  }
0x6e: {  	_ =	shalt  }
0x6f: {  	_ =	shalt  }
0x70: {  	_ =	shalt  }
0x71: {  	_ =	shalt  }
0x72: {  	_ =	shalt  }
0x73: {  	_ =	shalt  }
0x74: {  	_ =	shalt  }
0x75: {  	_ =	shalt  }
0x76: {  	_ =	shalt  }
0x77: {  	_ =	shalt  }
0x78: {  	_ =	shalt  }
0x79: {  	_ =	shalt  }
0x7a: {  	_ =	shalt  }
0x7b: {  	_ =	shalt  }
0x7c: {  	_ =	shalt  }
0x7d: {  	_ =	shalt  }
0x7e: {  	_ =	shalt  }
0x7f: {  	_ =	shalt  }
0x80: {  	_ =	shalt  }
0x81: {  	_ =	shalt  }
0x82: {  	_ =	shalt  }
0x83: {  	_ =	shalt  }
0x84: {  	_ =	shalt  }
0x85: {  	_ =	shalt  }
0x86: {  	_ =	shalt  }
0x87: {  	_ =	shalt  }
.Lfunc_end0:
.L_simem_size_0:
called_computation.3_lowered:
.L_overlay_start_0:
0x88: {  	s2 =	sld [smem:$0x3FD9]  }
0x89: {  	s3 =	sld [smem:$0x3FFE];
	_ =	sdelay $0x1  }
0x8a: {  	s1 =	srdreg.scid  }
0x8b: {  	s0 =	sand.u32 $0x1, s1  }
0x8c: {  	s17 =	sshll.u32 s0, $0xA;
	s2 =	sadd.s32 s3, s2  }
0x8d: {  	s2 =	sadd.s32 s2, s17  }
0x8e: {  	[smem:$0x3FC5] =	sst s2  }
0x8f: {  	_ = 	snop  }
0x90: {  	s18 =	sld [smem:$0x3FC7];
	(tm) =	ssettm $0x1  }
0x91: {  	s19 =	sld [smem:$0x3FFB];
	_ =	sdelay $0x3  }
0x92: {  	_ =	strace s19  }
0x93: {  	s2 =	sld [smem:$0x3FFC];
	_ =	sdelay $0x3  }
0x94: {  	_ =	strace s2  }
0x95: {  	s2 =	sld [smem:$0x3FFD];
	_ =	sdelay $0x3  }
0x96: {  	_ =	strace s2  }
0x97: {  	_ =	strace $0x8FFFFFFF  }
0x98: {  	s20 =	sld [smem:$0x3FDB];
	_ =	sdelay $0x1  }
0x99: {  	s4 =	simm.s32 $_scs_section_size  }
0x9a: {  	s5 =	simm.s32 $_size__tile_overlayer_lowered;
	s6 =	simm.s32 $_tile_overlayer_lowered  }
0x9b: {  	s7 =	simm.s32 $0x1BFF;
	s21 =	sshll.u32 s6, $0x1;
	s4 =	sadd.s32 s4, s20  }
0x9c: {  	s22 =	simm.s32 $0x0;
	s5 =	sshll.u32 s5, $0x1;
	s6 =	sadd.s32 s21, s4  }
0x9d: {  	[timem:s22], [sflag:s7] =	dma.local [hbm:s6], s5  }
0x9e: {  	_ =	swait.ge [sflag:s7], s5  }
0x9f: {  	s5 =	ssub.s32 $0x0, s5;
	[sflag:s7] =	ssyncset.done $0x0  }
0xa0: {  	[sflag:s7] =	ssyncadd.s32 s5;
	_ =	sdelay $0x1  }
0xa1: {  	s23 =	simm.s32 $0x1B8B  }
0xa2: {  	_ =	swait.ge [sflag:s23], $0x1  }
0xa3: {  	[sflag:s23] =	ssyncset.done $0x0  }
0xa4: {  	[sflag:s23] =	ssyncadd.s32 $0xFFFFFFFF  }
0xa5: {  	s5 =	sld [smem:$0x0]  }
0xa6: {  	s6 =	sand.u32 $0xFFFFFFFE, s1  }
0xa7: {  	p0 =	sne.s32 s1, s6  }
0xa8: {  	s6 =	sshll.u32 @p0 s6, $0xE  }
0xa9: {  	s6 =	sadd.s32 @p0 $0x11B8D, s6;
	s7 =	sshll.u32 @p0 s5, $0x11  }
0xaa: {  	s6 =	sor.u32 @p0 s7, s6  }
0xab: {  	[sflag:s6] =	ssyncadd.remote.s32 @p0 $0x1;
	_ =	sdelay $0x1  }
0xac: {  	s6 =	simm.s32 @p0 $0x1B8D  }
0xad: {  	_ =	swait.eq @p0 [sflag:s6], $0x1  }
0xae: {  	[sflag:s6] =	ssyncadd.s32 @p0 $0xFFFFFFFF  }
0xaf: {  	s7 =	sshll.u32 @!p0 s1, $0xE  }
0xb0: {  	s7 =	sor.u32 @!p0 $0x4000, s7;
	s6 =	simm.s32 @!p0 $0x1B8D  }
0xb1: {  	s5 =	sshll.u32 @!p0 s5, $0x11;
	s7 =	sadd.s32 @!p0 $0x11B8D, s7;
	_ =	swait.eq @!p0 [sflag:s6], $0x1  }
0xb2: {  	s5 =	sor.u32 @!p0 s5, s7;
	[sflag:s6] =	ssyncadd.s32 @!p0 $0xFFFFFFFF  }
0xb3: {  	s25 =	simm.s32 $0x1B8E;
	s24 =	sld [smem:$0x3FFE];
	[sflag:s5] =	ssyncadd.remote.s32 @!p0 $0x1  }
0xb4: {  	s26 =	simm.s32 $execute0_lowered;
	[smem:$0x3FD2] =	sst s25  }
0xb5: {  	s6 =	sshll.u32 s26, $0x1;
	_ =	strace $0x8000004F;
	[dreg:$0x1] =	wrdreg $0xFFFFFFFF  }
0xb6: {  	s28 =	simm.s32 $_size_execute0_lowered;
	s4 =	sadd.s32 s4, s6;
	[dreg:$0x0] =	wrdreg $0x0  }
0xb7: {  	s6 =	sshll.u32 s28, $0x1;
	[dreg:$0x2] =	wrdreg s4  }
0xb8: {  	[dreg:$0x3] =	wrdreg s6  }
0xb9: {  	[dreg:$0x4] =	wrdreg $0xC0  }
0xba: {  	_ =	task [dreg:s22], $0x5FFFF  }
0xbb: {  	[dreg:$0x1] =	wrdreg $0xFFFFFFFF  }
0xbc: {  	[dreg:$0x0] =	wrdreg $0x60  }
0xbd: {  	[dreg:$0x2] =	wrdreg s24  }
0xbe: {  	[dreg:$0x3] =	wrdreg s18  }
0xbf: {  	[dreg:$0x4] =	wrdreg $0x0  }
0xc0: {  	[dreg:$0x5] =	wrdreg $0xC  }
0xc1: {  	_ =	task.clear_ibuf [dreg:s22], $0x6FFFF;
	_ =	strace $0x9000004F  }
0xc2: {  	s29 =	simm.s32 $0xC;
	_ =	strace $0x80000051  }
0xc3: {  	_ =	swait.ge [sflag:s29], $0x1  }
0xc4: {  	[sflag:s29] =	ssyncadd.s32 $0xFFFFFFFF  }
0xc5: {  	_ =	strace $0x90000051  }
0xc6: {  	_ =	sfence  }
0xc7: {  	s30 =	sld [smem:$0x0];
	_ =	sdelay $0x2  }
0xc8: {  	s31 =	sshll.u32 s1, $0xD;
	s1 =	sshrl.u32 s1, $0x2  }
0xc9: {  	s4 =	sand.u32 $0x4000, s31;
	s1 =	sadd.s32 s1, s30  }
0xca: {  	s0 =	sor.u32 s4, s0;
	s1 =	sshll.u32 s1, $0x11  }
0xcb: {  	s0 =	sor.u32 s1, s0  }
0xcc: {  	s0 =	sadd.s32 $0x8F2B, s0  }
0xcd: {  	[sflag:s0] =	ssyncadd.remote.s32 $0x1  }
0xce: {  	_ =	sfence.sel $0xFFFF  }
0xcf: {  	[dreg:$0x0] =	wrdreg $0xFFFFFFFF;
	(pc) =	sbr.abs _section_cstart, $3  }
0xd0: {  	[dreg:$0x1] =	wrdreg $0xFFFFFFFF  }
0xd1: {  	_ =	task.clear_ibuf [dreg:s22], $0x2FFFF;
	_ =	strace $0x9FFFFFFF  }
0xd2: {  	(tm) =	ssettm $0x7FFFFFFF  }
0xd3: {  	_ =	shalt  }
tec
execute0_lowered:
.L_overlay_start_1:
0x0: {  	(tag) =	ssettag $0x1  }
0x1: {  	s11 =	rddreg [dreg:$0x0];
	s1 =	srdreg.scid  }
0x2: {  	s0 =	stileid.u32;
	s12 =	rddreg [dreg:$0x1]  }
0x3: {  	s2 =	rddreg [dreg:$0x2];
	s3 =	simm.s32 $0x0;
	s17 =	simm.s32 $0x1880  }
0x4: {  	s18 =	simm.s32 $0x6580;
	s19 =	simm.s32 $0x1;
	s20 =	simm.s32 $0xB280  }
0x5: {  	s21 =	simm.s32 $0xFF80;
	s22 =	simm.s32 $0x4D00;
	s28 =	simm.s32 $0x10  }
0x6: {  	s29 =	simm.s32 $0x0;
	s4 =	sand.u32 $0x1, s1;
	s23 =	sshll.u32 s0, $0x1  }
0x7: {  	s7 =	sshrl.u32 s0, $0x3;
	[smem:$0x7FF] =	sst s3;
	s26 =	smul.u32 $0x6200, s0  }
0x8: {  	s8 =	sshll.u32 s0, $0x7;
	s15 =	sor.u32 s4, s23;
	s6 =	smul.u32 $0x18800, s4  }
0x9: {  	s7 =	smul.u32 $0xC400, s7;
	_ =	strace $0x80000050;
	s25 =	sand.u32 $0x380, s8  }
0xa: {  	s4 =	ssub.s32 $0x2, s4;
	s23 =	simm.s32 $0x2;
	s5 =	smul.u32 $0xE700, s15  }
0xb: {  	s30 =	sshrl.u32 s4, $0x1;
	s31 =	sshrl.u32 s26, $0x2;
	p0 =	sne.s32 s15, $0x0  }
0xc: {  	s15 =	simm.s32 $0x15C80;
	s26 =	simm.s32 $0x80;
	s24 =	sadd.s32 s6, s7  }
0xd: {  	s14 =	ssub.s32 s4, s30;
	s4 =	sadd.s32 s31, s2;
	s9 =	sshrl.u32 s5, $0x3  }
0xe: {  	s5 =	sor.u32 s25, s24;
	s14 =	smax.u32 s14, $0x1;
	s24 =	simm.s32 $0x3  }
0xf: {  	s25 =	simm.s32 $0x4;
	s10 =	sadd.s32 s9, s11;
	s5 =	sshrl.u32 s5, $0x3  }
0x10: {  	s16 =	sadd.s32 s12, s9;
	s12 =	sadd.s32 $0xC3400, s12;
	s13 =	sadd.s32 s5, s11  }
0x11: {  	s5 =	sadd.s32 $0x9DE00, s10;
	s6 =	sadd.s32 $0x89800, s16;
	s7 =	sadd.s32 $0x9E7A0, s10  }
0x12: {  	s8 =	sadd.s32 $0x8A1A0, s16;
	s9 =	sadd.s32 $0x9F140, s10;
	s10 =	sadd.s32 $0x8AB40, s16  }
0x13: {  	v0 =	vimm.f32 $0.0e+00;
	s11 =	sadd.s32 $0xD7A00, s11;
	s16 =	simm.s32 $0x5;
	s13 =	sadd.s32 $0xD7C00, s13  }
.LBB2_1:
0x14: {  	s30 =	simm.s32 $0x15CC0  }
0x15: {  	[tilespmem:s30+$0xFFFFFFC0] =	vst v0  }
0x16: {  	[tilespmem:s30+$0x30] =	vst v0  }
0x17: {  	[tilespmem:s30+$0x20] =	vst v0  }
0x18: {  	[tilespmem:s30+$0x10] =	vst v0  }
0x19: {  	[tilespmem:s30+$0x0] =	vst v0  }
0x1a: {  	[tilespmem:s30+$0xFFFFFFF0] =	vst v0  }
0x1b: {  	s31 =	simm.s32 $0x0;
	[tilespmem:s30+$0xFFFFFFE0] =	vst v0  }
.LBB2_2:
0x1c: {  	s31 =	sadd.s32 $0x8, s31;
	[tilespmem:s30+$0xFFFFFFD0] =	vst v0;
	s30 =	sadd.s32 $0x80, s30  }
0x1d: {  	[tilespmem:s30+$0xFFFFFFC0] =	vst v0;
	p1 =	slt.u32 s31, $0x180  }
0x1e: {  	[tilespmem:s30+$0x30] =	vst v0  }
.Ltmp0:
0x1f: {  	[tilespmem:s30+$0x20] =	vst v0;
	(pc) =	sbr.rel @p1 .LBB2_2-.Ltmp0, $4  }
0x20: {  	[tilespmem:s30+$0x10] =	vst v0  }
0x21: {  	[tilespmem:s30+$0x0] =	vst v0  }
0x22: {  	[tilespmem:s30+$0xFFFFFFF0] =	vst v0  }
0x23: {  	[tilespmem:s30+$0xFFFFFFE0] =	vst v0  }
0x24: {  	[tilespmem:s30+$0xFFFFFFD0] =	vst v0  }
0x25: {  	[spmem:s4] =	stream.linear.scatter [tilespmem:s15], [sflag:$0x5], $0x1880, $0x38;
	[tilespmem:$0x17500] =	vst v63  }
0x26: {  	_ =	swait.ge [sflag:s16], $0x1880  }
0x27: {  	[sflag:s16] =	ssyncset.done $0x0  }
0x28: {  	[sflag:s16] =	ssyncadd.s32 $0xFFFFE780  }
0x29: {  	[bflag:$0x0] =	sbarrier.arrive $0xFFFF  }
0x2a: {  	[tilespmem:s17], [sflag:$0x1] =	stream.linear.gather [hbm4b:s5+s3], $0x4D00, $0x38;
	[tilespmem:$0x17500] =	vst v63  }
0x2b: {  	_ = 	snop  }
0x2c: {  	[tilespmem:s18], [sflag:$0x1] =	stream.linear.gather [hbm4b:s6+s3], $0x4D00, $0x38;
	[tilespmem:$0x17500] =	vst v63  }
0x2d: {  	_ =	swait.ge [sflag:s19], $0x4D00  }
0x2e: {  	[sflag:s19] =	ssyncset.done $0x0  }
0x2f: {  	[sflag:s19] =	ssyncadd.s32 $0xFFFFB300  }
0x30: {  	_ =	swait.ge [sflag:s19], $0x4D00  }
0x31: {  	[sflag:s19] =	ssyncset.done $0x0  }
0x32: {  	[sflag:s19] =	ssyncadd.s32 $0xFFFFB300  }
0x33: {  	[tilespmem:s20], [sflag:$0x2] =	stream.linear.gather [hbm4b:s7+s3], $0x4D00, $0x38;
	[tilespmem:$0x17500] =	vst v63  }
0x34: {  	_ = 	snop  }
0x35: {  	[tilespmem:s21], [sflag:$0x2] =	stream.linear.gather [hbm4b:s8+s3], $0x4D00, $0x38;
	[tilespmem:$0x17500] =	vst v63  }
0x36: {  	_ = 	snop  }
0x37: {  	[spmem:s2] =	stream.indirect.scatter.add.f32 [tilespmem:s17], [sflag:$0x3], $0x1, s18, s22, $0xb8;
	[tilespmem:$0x17500] =	vst v63  }
0x38: {  	_ =	swait.ge [sflag:s23], $0x4D00  }
0x39: {  	[sflag:s23] =	ssyncset.done $0x0  }
0x3a: {  	[sflag:s23] =	ssyncadd.s32 $0xFFFFB300  }
0x3b: {  	_ =	swait.ge [sflag:s23], $0x4D00  }
0x3c: {  	[sflag:s23] =	ssyncset.done $0x0  }
0x3d: {  	[sflag:s23] =	ssyncadd.s32 $0xFFFFB300  }
0x3e: {  	_ =	swait.ge [sflag:s24], $0x4D00  }
0x3f: {  	[sflag:s24] =	ssyncset.done $0x0  }
0x40: {  	[sflag:s24] =	ssyncadd.s32 $0xFFFFB300  }
0x41: {  	[tilespmem:s17], [sflag:$0x1] =	stream.linear.gather [hbm4b:s9+s3], $0x4D00, $0x38;
	[tilespmem:$0x17500] =	vst v63  }
0x42: {  	_ = 	snop  }
0x43: {  	[tilespmem:s18], [sflag:$0x1] =	stream.linear.gather [hbm4b:s10+s3], $0x4D00, $0x38;
	[tilespmem:$0x17500] =	vst v63  }
0x44: {  	_ = 	snop  }
0x45: {  	[spmem:s2] =	stream.indirect.scatter.add.f32 [tilespmem:s20], [sflag:$0x4], $0x1, s21, s22, $0xb8;
	[tilespmem:$0x17500] =	vst v63  }
0x46: {  	_ =	swait.ge [sflag:s19], $0x4D00  }
0x47: {  	[sflag:s19] =	ssyncset.done $0x0  }
0x48: {  	[sflag:s19] =	ssyncadd.s32 $0xFFFFB300  }
0x49: {  	_ =	swait.ge [sflag:s19], $0x4D00  }
0x4a: {  	[sflag:s19] =	ssyncset.done $0x0  }
0x4b: {  	[sflag:s19] =	ssyncadd.s32 $0xFFFFB300  }
0x4c: {  	[spmem:s2] =	stream.indirect.scatter.add.f32 [tilespmem:s17], [sflag:$0x3], $0x1, s18, s22, $0xb8;
	[tilespmem:$0x17500] =	vst v63  }
0x4d: {  	_ =	swait.ge [sflag:s24], $0x4D00  }
0x4e: {  	[sflag:s24] =	ssyncset.done $0x0  }
0x4f: {  	[sflag:s24] =	ssyncadd.s32 $0xFFFFB300  }
0x50: {  	_ =	swait.ge [sflag:s25], $0x4D00  }
0x51: {  	s30 =	simm.s32 @!p0 $0x0;
	[sflag:s25] =	ssyncset.done $0x0  }
0x52: {  	s31 =	simm.s32 @!p0 $0x14C80;
	s1 =	simm.s32 @!p0 $0x5;
	[sflag:s25] =	ssyncadd.s32 $0xFFFFB300  }
0x53: {  	[tilespmem:s31], [sflag:$0x5] =	stream.linear.gather @!p0 [hbm4b:s11+s30], $0x800, $0x38;
	[tilespmem:$0x17500] =	vst v63  }
0x54: {  	_ =	swait.ge @!p0 [sflag:s1], $0x800  }
0x55: {  	[sflag:s1] =	ssyncset.done @!p0 $0x0  }
0x56: {  	s0 =	simm.s32 @!p0 $0x15480;
	[sflag:s1] =	ssyncadd.s32 @!p0 $0xFFFFF800  }
0x57: {  	[tilespmem:s0], [sflag:$0x5] =	stream.linear.gather @!p0 [hbm4b:s12+s30], $0x800, $0x38;
	[tilespmem:$0x17500] =	vst v63  }
0x58: {  	_ =	swait.ge @!p0 [sflag:s1], $0x800  }
0x59: {  	[sflag:s1] =	ssyncset.done @!p0 $0x0  }
0x5a: {  	s30 =	simm.s32 @!p0 $0x800;
	[sflag:s1] =	ssyncadd.s32 @!p0 $0xFFFFF800  }
0x5b: {  	[spmem:s2] =	stream.indirect.scatter.add.f32 @!p0 [tilespmem:s31], [sflag:$0x5], $0x1, s0, s30, $0xb8;
	[tilespmem:$0x17500] =	vst v63  }
0x5c: {  	s29 =	sadd.s32 $0x1, s29;
	_ =	swait.ge @!p0 [sflag:s1], $0x800  }
0x5d: {  	p1 =	sne.s32 s29, s14;
	s30 =	stileid.u32;
	[sflag:s1] =	ssyncset.done @!p0 $0x0  }
0x5e: {  	s31 =	sshrl.u32 s4, $0x3;
	s0 =	sshll.u32 s30, $0x6;
	[sflag:s1] =	ssyncadd.s32 @!p0 $0xFFFFF800  }
.Ltmp1:
0x5f: {  	s0 =	sor.u32 $0x1C05, s0;
	[bflag:$0x0] =	sbarrier.arrive $0xFFFF;
	(pc) =	sbr.rel @p1 .LBB2_1-.Ltmp1, $4  }
0x60: {  	[hbm:s13@s26], [sflag:s0] =	dma.strided [spmem:s31@s28], $0x310, s19, $0x10   }
0x61: {  	_ =	swait.ge [sflag:s16], $0x310  }
0x62: {  	[sflag:s16] =	ssyncset.done $0x0  }
0x63: {  	[sflag:s16] =	ssyncadd.s32 $0xFFFFFCF0  }
0x64: {  	_ =	sfence.sel $0x180000  }
0x65: {  	[bflag:$0x0] =	sbarrier.arrive $0xFFFF  }
0x66: {  	_ =	strace $0x90000050  }
0x67: {  	s0 =	stileid.u32;
	[bflag:$0x2] =	sbarrier.arrive $0xFFFF  }
0x68: {  	p0 =	sne.s32 s0, $0x0;
	s0 =	rddreg [dreg:$0x3]  }
0x69: {  	s0 =	sadd.s32 @!p0 $0x100000, s0  }
0x6a: {  	[sflag:s0] =	ssyncadd.tile.s32 @!p0 $0x1;
	_ =	shalt  }
.Lfunc_end2:
_tile_overlayer_lowered:
.L_overlay_start_2:
0x6b: {  	(tag) =	ssettag $0x2  }
0x6c: {  	s0 =	rddreg [dreg:$0x0];
	s2 =	stileid.u32  }
0x6d: {  	s1 =	rddreg [dreg:$0x1];
	p0 =	sne.s32 s2, $0x0  }
0x6e: {  	s3 =	rddreg [dreg:$0x2];
	[bflag:$0x3] =	sbarrier.arrive $0xFFFF;
	s2 =	simm.s32 @!p0 $0x1C05  }
0x6f: {  	[timem:s3], [sflag:s2] =	dma.local @!p0 [hbm:s0], s1  }
0x70: {  	s0 =	simm.s32 @!p0 $0x5  }
0x71: {  	_ =	swait.ge @!p0 [sflag:s0], s1  }
0x72: {  	s1 =	ssub.s32 @!p0 $0x0, s1;
	[sflag:s0] =	ssyncset.done @!p0 $0x0  }
0x73: {  	[sflag:s0] =	ssyncadd.s32 @!p0 s1  }
0x74: {  	[bflag:$0x3] =	sbarrier.arrive $0xFFFF  }
0x75: {  	_ =	shalt  }

</sc_bundles>
